<compile_context>
chip_gen: v7x
topology: tpu7x:2x2x1
jax: 0.10.2.dev20260603
libtpu: 0.0.44.dev20260713+nightly
codegen_flags: <defaults>
</compile_context>

<pallas_src>
import functools

import jax
import jax.numpy as jnp
from jax import lax
from jax.experimental import pallas as pl
from jax.experimental.pallas import tpu as pltpu
from jax.experimental.pallas import tpu_sc as plsc

N = 10000
E = 320000
D_IN = 200
D_OUT = 64

NC = 2
NS = 16
NW = NC * NS
EPW = E // NW
CHUNK = 80
NCHUNK = EPW // CHUNK
NPAD = 10240
RPT = NPAD // NS
RB = 80
ZCOPIES = RPT // RB
DP = 64
HPW = 128
DEGD = 5

_mesh = plsc.VectorSubcoreMesh(core_axis_name="c", subcore_axis_name="s")


@functools.partial(
    pl.kernel,
    mesh=_mesh,
    compiler_params=pltpu.CompilerParams(use_tc_tiling_on_sc=False),
    out_type=jax.ShapeDtypeStruct((NC, NPAD // HPW, HPW), jnp.float32),
    scratch_types=[
        pltpu.VMEM((EPW,), jnp.int32),
        pltpu.VMEM((112,), jnp.float32),
        pltpu.VMEM((RPT,), jnp.float32),
        pltpu.VMEM((RPT // HPW, HPW), jnp.float32),
        pltpu.VMEM_SHARED((NPAD,), jnp.float32),
        pltpu.SemaphoreType.DMA,
    ],
)
def _deg_kernel(e_hbm, out_hbm, idx_v, ones_v, stage_v, stage2_v, acc_sh,
                sem):
    cid = lax.axis_index("c")
    sid = lax.axis_index("s")
    wid = cid * NS + sid

    pltpu.sync_copy(e_hbm.at[1, pl.ds(wid * EPW, EPW)], idx_v)

    for i in range(7):
        ones_v[pl.ds(i * 16, 16)] = jnp.ones((16,), jnp.float32)

    def _zero_body(i, _):
        stage_v[pl.ds(i * 16, 16)] = jnp.zeros((16,), jnp.float32)
        return _

    lax.fori_loop(0, RPT // 16, _zero_body, None)

    pltpu.sync_copy(stage_v, acc_sh.at[pl.ds(sid * RPT, RPT)])
    plsc.subcore_barrier()

    def _scatter_body(j, _):
        for k in range(DEGD):
            c = (DEGD * j + k) * CHUNK
            pltpu.async_copy(ones_v.at[pl.ds(0, CHUNK)],
                             acc_sh.at[idx_v.at[pl.ds(c, CHUNK)]], sem,
                             add=True)
        for k in range(DEGD):
            c = (DEGD * j + k) * CHUNK
            pltpu.make_async_copy(ones_v.at[pl.ds(0, CHUNK)],
                                  acc_sh.at[idx_v.at[pl.ds(c, CHUNK)]],
                                  sem).wait()
        return _

    lax.fori_loop(0, NCHUNK // DEGD, _scatter_body, None)
    plsc.subcore_barrier()

    pltpu.sync_copy(acc_sh.at[pl.ds(sid * RPT, RPT)], stage_v)

    def _mv_body(i, _):
        for k in range(HPW // 16):
            stage2_v[i, pl.ds(k * 16, 16)] = stage_v[
                pl.ds(i * HPW + k * 16, 16)]
        return _

    lax.fori_loop(0, RPT // HPW, _mv_body, None)
    pltpu.sync_copy(
        stage2_v,
        out_hbm.at[cid, pl.ds(sid * (RPT // HPW), RPT // HPW)])


@functools.partial(
    pl.kernel,
    mesh=_mesh,
    compiler_params=pltpu.CompilerParams(use_tc_tiling_on_sc=False),
    out_type=jax.ShapeDtypeStruct((NC, NPAD, HPW), jnp.float32),
    scratch_types=[
        pltpu.VMEM((EPW,), jnp.int32),
        pltpu.VMEM((EPW,), jnp.int32),
        pltpu.VMEM((CHUNK, DP), jnp.float32),
        pltpu.VMEM((CHUNK, DP), jnp.float32),
        pltpu.VMEM_SHARED((NPAD, DP), jnp.float32),
        pltpu.VMEM_SHARED((NPAD, DP), jnp.float32),
        pltpu.SemaphoreType.DMA,
        pltpu.SemaphoreType.DMA,
    ],
)
def _agg_kernel(hp_hbm, e_hbm, out_hbm,
                src_v, dst_v, rows_a, rows_b, hp_sh, acc_sh, sem_a, sem_b):
    cid = lax.axis_index("c")
    sid = lax.axis_index("s")
    wid = cid * NS + sid
    ebase = wid * EPW

    pltpu.sync_copy(e_hbm.at[0, pl.ds(ebase, EPW)], src_v)
    pltpu.sync_copy(e_hbm.at[1, pl.ds(ebase, EPW)], dst_v)

    pltpu.sync_copy(hp_hbm.at[pl.ds(sid * RPT, RPT)],
                    hp_sh.at[pl.ds(sid * RPT, RPT)])

    def _zero_body(i, _):
        for k in range(DP // 16):
            rows_a[i, pl.ds(k * 16, 16)] = jnp.zeros((16,), jnp.float32)
        return _

    lax.fori_loop(0, RB, _zero_body, None)
    for k in range(ZCOPIES):
        pltpu.sync_copy(rows_a.at[pl.ds(0, RB)],
                        acc_sh.at[pl.ds(sid * RPT + k * RB, RB)])
    plsc.subcore_barrier()

    def _sidx(j):
        return src_v.at[pl.ds(j * CHUNK, CHUNK)]

    def _didx(j):
        return dst_v.at[pl.ds(j * CHUNK, CHUNK)]

    pltpu.async_copy(hp_sh.at[_sidx(0)], rows_a, sem_a)

    def _edge_body(t, _):
        ja = 2 * t
        pltpu.async_copy(hp_sh.at[_sidx(ja + 1)], rows_b, sem_b)
        pltpu.make_async_copy(hp_sh.at[_sidx(ja)], rows_a, sem_a).wait()
        pltpu.sync_copy(rows_a, acc_sh.at[_didx(ja)], add=True)
        pltpu.async_copy(hp_sh.at[_sidx(ja + 2)], rows_a, sem_a)
        pltpu.make_async_copy(hp_sh.at[_sidx(ja + 1)], rows_b, sem_b).wait()
        pltpu.sync_copy(rows_b, acc_sh.at[_didx(ja + 1)], add=True)
        return _

    lax.fori_loop(0, NCHUNK // 2, _edge_body, None)
    last = NCHUNK - 1
    pltpu.make_async_copy(hp_sh.at[_sidx(last)], rows_a, sem_a).wait()
    pltpu.sync_copy(rows_a, acc_sh.at[_didx(last)], add=True)
    plsc.subcore_barrier()

    for k in range(ZCOPIES):
        base = sid * RPT + k * RB
        pltpu.sync_copy(acc_sh.at[pl.ds(base, RB)], rows_a.at[pl.ds(0, RB)])
        pltpu.sync_copy(rows_a.at[pl.ds(0, RB)],
                        out_hbm.at[cid, pl.ds(base, RB), pl.ds(0, DP)])


def _dense_body(x_ref, w_ref, degp_ref, hp_ref, dis_ref):
    s = degp_ref[...]
    deg = s[0] + s[1] + 1.0
    deg_row = jnp.reshape(deg, (1, NPAD))
    dis = jnp.reshape(lax.rsqrt(deg_row), (NPAD, 1))[:N]
    dis_ref[...] = dis
    hp_ref[N:, :] = jnp.zeros((NPAD - N, DP), jnp.float32)
    h = jnp.dot(x_ref[...], w_ref[...], preferred_element_type=jnp.float32)
    hp_ref[:N, :] = h * dis


def _final_body(sp_ref, hp_ref, dis_ref, b_ref, g_ref, be_ref, y_ref):
    agg = (sp_ref[0, :, :D_OUT] + sp_ref[1, :, :D_OUT]
           + hp_ref[:, :D_OUT])
    o = agg * dis_ref[...] + b_ref[...]
    o = jnp.maximum(o, 0.0)
    mean = jnp.mean(o, axis=0, keepdims=True)
    c = o - mean
    var = jnp.mean(c * c, axis=0, keepdims=True)
    y_ref[...] = c * lax.rsqrt(var + 1e-5) * g_ref[...] + be_ref[...]


def kernel(x, edge_index, W, b, gamma, beta):
    deg_p = _deg_kernel(edge_index)

    hp, dis = pl.pallas_call(
        _dense_body,
        out_shape=[
            jax.ShapeDtypeStruct((NPAD, DP), jnp.float32),
            jax.ShapeDtypeStruct((N, 1), jnp.float32),
        ],
    )(x, W, deg_p)

    s_p = _agg_kernel(hp, edge_index)

    y = pl.pallas_call(
        _final_body,
        grid=(1,),
        in_specs=[
            pl.BlockSpec((NC, N, HPW), lambda i: (0, 0, 0)),
            pl.BlockSpec((N, DP), lambda i: (0, 0)),
            pl.BlockSpec((N, 1), lambda i: (0, 0)),
            pl.BlockSpec((1, D_OUT), lambda i: (0, 0)),
            pl.BlockSpec((1, D_OUT), lambda i: (0, 0)),
            pl.BlockSpec((1, D_OUT), lambda i: (0, 0)),
        ],
        out_specs=pl.BlockSpec((N, D_OUT), lambda i: (0, 0)),
        out_shape=jax.ShapeDtypeStruct((N, D_OUT), jnp.float32),
    )(s_p, hp, dis,
      b.reshape(1, D_OUT), gamma.reshape(1, D_OUT), beta.reshape(1, D_OUT))
    return y

# --- scband reference (transcript-rebuilt; emitter-appended) ---
"""Pipeline reference for scband-label-g-15942918603370 (READ-ONLY COPY).

The authoritative reference and input builder live on the scoring server;
editing this copy changes nothing except your own understanding.
"""

import jax, jax.numpy as jnp
import numpy as np

N = 10000
E = 320000
D_IN = 200
D_OUT = 64

def setup_inputs(seed: int = 0) -> dict:
    key = jax.random.key(seed)
    k1, k2, k3 = jax.random.split(key, 3)
    x = jax.random.normal(k1, (N, D_IN), dtype=jnp.float32)
    edge_index = jax.random.randint(k2, (2, E), 0, N, dtype=jnp.int32)
    # GCNConv parameters: Linear(200, 64, bias=False) weight + separate bias
    W = jax.random.normal(k3, (D_IN, D_OUT), dtype=jnp.float32) * (1.0 / np.sqrt(D_IN))
    b = jnp.zeros((D_OUT,), dtype=jnp.float32)
    # BatchNorm1d(64) affine params (default init)
    gamma = jnp.ones((D_OUT,), dtype=jnp.float32)
    beta = jnp.zeros((D_OUT,), dtype=jnp.float32)
    return {"x": x, "edge_index": edge_index, "W": W, "b": b, "gamma": gamma, "beta": beta}


def reference(x, edge_index, W, b, gamma, beta):
    n = x.shape[0]
    # GCNConv: add self-loops, symmetric normalization D^{-1/2} A_hat D^{-1/2}
    loop = jnp.arange(n, dtype=edge_index.dtype)
    src = jnp.concatenate([edge_index[0], loop])
    dst = jnp.concatenate([edge_index[1], loop])
    deg = jnp.zeros((n,), dtype=x.dtype).at[dst].add(1.0)
    dis = jnp.where(deg > 0, jax.lax.rsqrt(jnp.maximum(deg, 1e-12)), 0.0)
    norm = dis[src] * dis[dst]
    h = x @ W                      # linear transform first (out_dim < in_dim)
    msg = h[src] * norm[:, None]   # gather + scale
    out = jnp.zeros((n, h.shape[1]), dtype=x.dtype).at[dst].add(msg)  # scatter-add
    out = out + b
    # ReLU
    out = jax.nn.relu(out)
    # BatchNorm1d in training mode: batch statistics, biased variance, eps=1e-5
    mean = jnp.mean(out, axis=0)
    var = jnp.mean((out - mean) ** 2, axis=0)
    y = (out - mean) * jax.lax.rsqrt(var + 1e-5) * gamma + beta
    return y

if __name__ == "__main__":
    import jax
    _d = setup_inputs()
    print(jax.jit(kernel)(*tuple(_d.values())))

</pallas_src>

<mosaic_0001>
#map = affine_map<(d0, d1) -> (0, 0)>
#map1 = affine_map<(d0, d1) -> (0, 0, 0)>
module attributes {stable_mosaic.version = 14 : i64} {
  func.func @_deg_kernel(%arg0: i32, %arg1: i32, %arg2: memref<2x320000xi32, #tpu.memory_space<hbm>>, %arg3: memref<2x80x128xf32, #tpu.memory_space<hbm>>, %arg4: memref<10000xi32, #tpu.memory_space<vmem>>, %arg5: memref<112xf32, #tpu.memory_space<vmem>>, %arg6: memref<640xf32, #tpu.memory_space<vmem>>, %arg7: memref<5x128xf32, #tpu.memory_space<vmem>>, %arg8: memref<10240xf32, #tpu.memory_space<vmem_shared>>, %arg9: memref<!tpu.dma_semaphore, #tpu.memory_space<semaphore_mem>>) attributes {dimension_semantics = [#tpu.dimension_semantics<core_parallel>, #tpu.dimension_semantics<subcore_parallel>], iteration_bounds = array<i64: 2, 16>, scalar_prefetch = 0 : i64, scratch_operands = 6 : i64, tpu.core_type = #tpu.core_type<sc_vector_subcore>, window_params = [{transform_indices = #map}, {transform_indices = #map1}]} {
    %mul3A = arith.constant 16 : i32
    %mul3A_0 = arith.muli %arg0, %mul3A : i32
    %add3A = arith.addi %mul3A_0, %arg1 : i32
    %mul3A_1 = arith.constant 10000 : i32
    %mul3A_2 = arith.muli %add3A, %mul3A_1 : i32
    %run_scoped3A = arith.constant 1 : i32
    "tpu.region"() ({
      %run_scoped3A_64 = tpu.sem_alloc : memref<!tpu.dma_semaphore, #tpu.memory_space<semaphore_mem>>
      %dma_start3A = tpu.memref_slice %arg2[%run_scoped3A, %mul3A_2] : memref<2x320000xi32, #tpu.memory_space<hbm>> -> memref<1x10000xi32, #tpu.memory_space<hbm>>
      %dma_start3A_65 = tpu.memref_squeeze %dma_start3A : memref<1x10000xi32, #tpu.memory_space<hbm>> -> memref<10000xi32, #tpu.memory_space<hbm>>
      %dma_start3A_66 = tpu.memref_slice %arg2[%run_scoped3A, %mul3A_2] : memref<2x320000xi32, #tpu.memory_space<hbm>> -> memref<1x10000xi32, #tpu.memory_space<hbm>>
      %dma_start3A_67 = tpu.memref_squeeze %dma_start3A_66 : memref<1x10000xi32, #tpu.memory_space<hbm>> -> memref<10000xi32, #tpu.memory_space<hbm>>
      tpu.enqueue_dma source(%dma_start3A_67 : memref<10000xi32, #tpu.memory_space<hbm>>) target(%arg4 : memref<10000xi32, #tpu.memory_space<vmem>>) target_semaphore(%run_scoped3A_64 : memref<!tpu.dma_semaphore, #tpu.memory_space<semaphore_mem>>)
      %dma_wait3A = tpu.memref_slice %arg2[%run_scoped3A, %mul3A_2] : memref<2x320000xi32, #tpu.memory_space<hbm>> -> memref<1x10000xi32, #tpu.memory_space<hbm>>
      %dma_wait3A_68 = tpu.memref_squeeze %dma_wait3A : memref<1x10000xi32, #tpu.memory_space<hbm>> -> memref<10000xi32, #tpu.memory_space<hbm>>
      %dma_wait3A_69 = tpu.memref_slice %arg2[%run_scoped3A, %mul3A_2] : memref<2x320000xi32, #tpu.memory_space<hbm>> -> memref<1x10000xi32, #tpu.memory_space<hbm>>
      %dma_wait3A_70 = tpu.memref_squeeze %dma_wait3A_69 : memref<1x10000xi32, #tpu.memory_space<hbm>> -> memref<10000xi32, #tpu.memory_space<hbm>>
      tpu.wait_dma2 semaphore(%run_scoped3A_64 : memref<!tpu.dma_semaphore, #tpu.memory_space<semaphore_mem>>) src(%dma_wait3A_70 : memref<10000xi32, #tpu.memory_space<hbm>>) dst(%arg4 : memref<10000xi32, #tpu.memory_space<vmem>>)
      tpu.yield
    }) : () -> ()
    %broadcast_in_dim3A = arith.constant 1.000000e+00 : f32
    %broadcast_in_dim3A_3 = vector.broadcast %broadcast_in_dim3A : f32 to vector<16xf32>
    %swap3A = arith.constant 0 : index
    %swap3A_4 = tpu.vector_load %arg5[%swap3A] {strides = array<i32>} : memref<112xf32, #tpu.memory_space<vmem>>, vector<16xf32>,
    %swap3A_5 = vector.shape_cast %swap3A_4 : vector<16xf32> to vector<16xf32>
    %swap3A_6 = vector.shape_cast %broadcast_in_dim3A_3 : vector<16xf32> to vector<16xf32>
    tpu.vector_store %arg5[%swap3A], %swap3A_6 {strides = array<i32>} : memref<112xf32, #tpu.memory_space<vmem>>, vector<16xf32>,
    %broadcast_in_dim3A_7 = arith.constant 1.000000e+00 : f32
    %broadcast_in_dim3A_8 = vector.broadcast %broadcast_in_dim3A_7 : f32 to vector<16xf32>
    %swap3A_9 = arith.constant 16 : index
    %swap3A_10 = tpu.vector_load %arg5[%swap3A_9] {strides = array<i32>} : memref<112xf32, #tpu.memory_space<vmem>>, vector<16xf32>,
    %swap3A_11 = vector.shape_cast %swap3A_10 : vector<16xf32> to vector<16xf32>
    %swap3A_12 = vector.shape_cast %broadcast_in_dim3A_8 : vector<16xf32> to vector<16xf32>
    tpu.vector_store %arg5[%swap3A_9], %swap3A_12 {strides = array<i32>} : memref<112xf32, #tpu.memory_space<vmem>>, vector<16xf32>,
    %broadcast_in_dim3A_13 = arith.constant 1.000000e+00 : f32
    %broadcast_in_dim3A_14 = vector.broadcast %broadcast_in_dim3A_13 : f32 to vector<16xf32>
    %swap3A_15 = arith.constant 32 : index
    %swap3A_16 = tpu.vector_load %arg5[%swap3A_15] {strides = array<i32>} : memref<112xf32, #tpu.memory_space<vmem>>, vector<16xf32>,
    %swap3A_17 = vector.shape_cast %swap3A_16 : vector<16xf32> to vector<16xf32>
    %swap3A_18 = vector.shape_cast %broadcast_in_dim3A_14 : vector<16xf32> to vector<16xf32>
    tpu.vector_store %arg5[%swap3A_15], %swap3A_18 {strides = array<i32>} : memref<112xf32, #tpu.memory_space<vmem>>, vector<16xf32>,
    %broadcast_in_dim3A_19 = arith.constant 1.000000e+00 : f32
    %broadcast_in_dim3A_20 = vector.broadcast %broadcast_in_dim3A_19 : f32 to vector<16xf32>
    %swap3A_21 = arith.constant 48 : index
    %swap3A_22 = tpu.vector_load %arg5[%swap3A_21] {strides = array<i32>} : memref<112xf32, #tpu.memory_space<vmem>>, vector<16xf32>,
    %swap3A_23 = vector.shape_cast %swap3A_22 : vector<16xf32> to vector<16xf32>
    %swap3A_24 = vector.shape_cast %broadcast_in_dim3A_20 : vector<16xf32> to vector<16xf32>
    tpu.vector_store %arg5[%swap3A_21], %swap3A_24 {strides = array<i32>} : memref<112xf32, #tpu.memory_space<vmem>>, vector<16xf32>,
    %broadcast_in_dim3A_25 = arith.constant 1.000000e+00 : f32
    %broadcast_in_dim3A_26 = vector.broadcast %broadcast_in_dim3A_25 : f32 to vector<16xf32>
    %swap3A_27 = arith.constant 64 : index
    %swap3A_28 = tpu.vector_load %arg5[%swap3A_27] {strides = array<i32>} : memref<112xf32, #tpu.memory_space<vmem>>, vector<16xf32>,
    %swap3A_29 = vector.shape_cast %swap3A_28 : vector<16xf32> to vector<16xf32>
    %swap3A_30 = vector.shape_cast %broadcast_in_dim3A_26 : vector<16xf32> to vector<16xf32>
    tpu.vector_store %arg5[%swap3A_27], %swap3A_30 {strides = array<i32>} : memref<112xf32, #tpu.memory_space<vmem>>, vector<16xf32>,
    %broadcast_in_dim3A_31 = arith.constant 1.000000e+00 : f32
    %broadcast_in_dim3A_32 = vector.broadcast %broadcast_in_dim3A_31 : f32 to vector<16xf32>
    %swap3A_33 = arith.constant 80 : index
    %swap3A_34 = tpu.vector_load %arg5[%swap3A_33] {strides = array<i32>} : memref<112xf32, #tpu.memory_space<vmem>>, vector<16xf32>,
    %swap3A_35 = vector.shape_cast %swap3A_34 : vector<16xf32> to vector<16xf32>
    %swap3A_36 = vector.shape_cast %broadcast_in_dim3A_32 : vector<16xf32> to vector<16xf32>
    tpu.vector_store %arg5[%swap3A_33], %swap3A_36 {strides = array<i32>} : memref<112xf32, #tpu.memory_space<vmem>>, vector<16xf32>,
    %broadcast_in_dim3A_37 = arith.constant 1.000000e+00 : f32
    %broadcast_in_dim3A_38 = vector.broadcast %broadcast_in_dim3A_37 : f32 to vector<16xf32>
    %swap3A_39 = arith.constant 96 : index
    %swap3A_40 = tpu.vector_load %arg5[%swap3A_39] {strides = array<i32>} : memref<112xf32, #tpu.memory_space<vmem>>, vector<16xf32>,
    %swap3A_41 = vector.shape_cast %swap3A_40 : vector<16xf32> to vector<16xf32>
    %swap3A_42 = vector.shape_cast %broadcast_in_dim3A_38 : vector<16xf32> to vector<16xf32>
    tpu.vector_store %arg5[%swap3A_39], %swap3A_42 {strides = array<i32>} : memref<112xf32, #tpu.memory_space<vmem>>, vector<16xf32>,
    %scan3A = arith.constant 0 : i32
    %scan3A_43 = arith.constant 40 : i32
    %scan3A_44 = arith.addi %scan3A, %scan3A_43 : i32
    %scan3A_45 = arith.constant 1 : i32
    scf.for %scan3A_64 = %scan3A to %scan3A_44 step %scan3A_45  : i32 {
      %broadcast_in_dim3A_65 = arith.constant 0.000000e+00 : f32
      %broadcast_in_dim3A_66 = vector.broadcast %broadcast_in_dim3A_65 : f32 to vector<16xf32>
      %mul3A_67 = arith.constant 16 : i32
      %mul3A_68 = arith.muli %scan3A_64, %mul3A_67 : i32
      %swap3A_69 = arith.index_cast %mul3A_68 : i32 to index
      %swap3A_70 = tpu.vector_load %arg6[%swap3A_69] {strides = array<i32>} : memref<640xf32, #tpu.memory_space<vmem>>, vector<16xf32>,
      %swap3A_71 = vector.shape_cast %swap3A_70 : vector<16xf32> to vector<16xf32>
      %swap3A_72 = vector.shape_cast %broadcast_in_dim3A_66 : vector<16xf32> to vector<16xf32>
      tpu.vector_store %arg6[%swap3A_69], %swap3A_72 {strides = array<i32>} : memref<640xf32, #tpu.memory_space<vmem>>, vector<16xf32>,
    }
    %scan3A_46 = arith.constant 40 : i32
    %mul3A_47 = arith.constant 640 : i32
    %mul3A_48 = arith.muli %arg1, %mul3A_47 : i32
    "tpu.region"() ({
      %run_scoped3A_64 = tpu.sem_alloc : memref<!tpu.dma_semaphore, #tpu.memory_space<semaphore_mem>>
      %dma_start3A = tpu.memref_slice %arg8[%mul3A_48] : memref<10240xf32, #tpu.memory_space<vmem_shared>> -> memref<640xf32, #tpu.memory_space<vmem_shared>>
      %dma_start3A_65 = tpu.memref_slice %arg8[%mul3A_48] : memref<10240xf32, #tpu.memory_space<vmem_shared>> -> memref<640xf32, #tpu.memory_space<vmem_shared>>
      tpu.enqueue_dma source(%arg6 : memref<640xf32, #tpu.memory_space<vmem>>) target(%dma_start3A_65 : memref<640xf32, #tpu.memory_space<vmem_shared>>) target_semaphore(%run_scoped3A_64 : memref<!tpu.dma_semaphore, #tpu.memory_space<semaphore_mem>>)
      %dma_wait3A = tpu.memref_slice %arg8[%mul3A_48] : memref<10240xf32, #tpu.memory_space<vmem_shared>> -> memref<640xf32, #tpu.memory_space<vmem_shared>>
      %dma_wait3A_66 = tpu.memref_slice %arg8[%mul3A_48] : memref<10240xf32, #tpu.memory_space<vmem_shared>> -> memref<640xf32, #tpu.memory_space<vmem_shared>>
      tpu.wait_dma2 semaphore(%run_scoped3A_64 : memref<!tpu.dma_semaphore, #tpu.memory_space<semaphore_mem>>) src(%arg6 : memref<640xf32, #tpu.memory_space<vmem>>) dst(%dma_wait3A_66 : memref<640xf32, #tpu.memory_space<vmem_shared>>)
      tpu.yield
    }) : () -> ()
    %barrier3A = arith.constant 0 : index
    tpu.barrier barrier_id(%barrier3A)
    %scan3A_49 = arith.constant 0 : i32
    %scan3A_50 = arith.constant 25 : i32
    %scan3A_51 = arith.addi %scan3A_49, %scan3A_50 : i32
    %scan3A_52 = arith.constant 1 : i32
    scf.for %scan3A_64 = %scan3A_49 to %scan3A_51 step %scan3A_52  : i32 {
      %mul3A_65 = arith.constant 5 : i32
      %mul3A_66 = arith.muli %mul3A_65, %scan3A_64 : i32
      %add3A_67 = arith.constant 0 : i32
      %add3A_68 = arith.addi %mul3A_66, %add3A_67 : i32
      %mul3A_69 = arith.constant 80 : i32
      %mul3A_70 = arith.muli %add3A_68, %mul3A_69 : i32
      %dma_start3A = arith.constant 0 : i32
      %dma_start3A_71 = tpu.memref_slice %arg5[%dma_start3A] : memref<112xf32, #tpu.memory_space<vmem>> -> memref<80xf32, #tpu.memory_space<vmem>>
      %dma_start3A_72 = tpu.memref_slice %arg4[%mul3A_70] : memref<10000xi32, #tpu.memory_space<vmem>> -> memref<80xi32, #tpu.memory_space<vmem>>
      %dma_start3A_73 = arith.constant 0 : i32
      %dma_start3A_74 = tpu.memref_slice %arg8[%dma_start3A_73] : memref<10240xf32, #tpu.memory_space<vmem_shared>> -> memref<10240xf32, #tpu.memory_space<vmem_shared>>
      tpu.enqueue_indirect_dma source(%dma_start3A_71 : memref<80xf32, #tpu.memory_space<vmem>>) target(%dma_start3A_74 : memref<10240xf32, #tpu.memory_space<vmem_shared>>) offsets(%dma_start3A_72 : memref<80xi32, #tpu.memory_space<vmem>>) semaphore(%arg9 : memref<!tpu.dma_semaphore, #tpu.memory_space<semaphore_mem>>) {add = true}
      %mul3A_75 = arith.constant 5 : i32
      %mul3A_76 = arith.muli %mul3A_75, %scan3A_64 : i32
      %add3A_77 = arith.constant 1 : i32
      %add3A_78 = arith.addi %mul3A_76, %add3A_77 : i32
      %mul3A_79 = arith.constant 80 : i32
      %mul3A_80 = arith.muli %add3A_78, %mul3A_79 : i32
      %dma_start3A_81 = arith.constant 0 : i32
      %dma_start3A_82 = tpu.memref_slice %arg5[%dma_start3A_81] : memref<112xf32, #tpu.memory_space<vmem>> -> memref<80xf32, #tpu.memory_space<vmem>>
      %dma_start3A_83 = tpu.memref_slice %arg4[%mul3A_80] : memref<10000xi32, #tpu.memory_space<vmem>> -> memref<80xi32, #tpu.memory_space<vmem>>
      %dma_start3A_84 = arith.constant 0 : i32
      %dma_start3A_85 = tpu.memref_slice %arg8[%dma_start3A_84] : memref<10240xf32, #tpu.memory_space<vmem_shared>> -> memref<10240xf32, #tpu.memory_space<vmem_shared>>
      tpu.enqueue_indirect_dma source(%dma_start3A_82 : memref<80xf32, #tpu.memory_space<vmem>>) target(%dma_start3A_85 : memref<10240xf32, #tpu.memory_space<vmem_shared>>) offsets(%dma_start3A_83 : memref<80xi32, #tpu.memory_space<vmem>>) semaphore(%arg9 : memref<!tpu.dma_semaphore, #tpu.memory_space<semaphore_mem>>) {add = true}
      %mul3A_86 = arith.constant 5 : i32
      %mul3A_87 = arith.muli %mul3A_86, %scan3A_64 : i32
      %add3A_88 = arith.constant 2 : i32
      %add3A_89 = arith.addi %mul3A_87, %add3A_88 : i32
      %mul3A_90 = arith.constant 80 : i32
      %mul3A_91 = arith.muli %add3A_89, %mul3A_90 : i32
      %dma_start3A_92 = arith.constant 0 : i32
      %dma_start3A_93 = tpu.memref_slice %arg5[%dma_start3A_92] : memref<112xf32, #tpu.memory_space<vmem>> -> memref<80xf32, #tpu.memory_space<vmem>>
      %dma_start3A_94 = tpu.memref_slice %arg4[%mul3A_91] : memref<10000xi32, #tpu.memory_space<vmem>> -> memref<80xi32, #tpu.memory_space<vmem>>
      %dma_start3A_95 = arith.constant 0 : i32
      %dma_start3A_96 = tpu.memref_slice %arg8[%dma_start3A_95] : memref<10240xf32, #tpu.memory_space<vmem_shared>> -> memref<10240xf32, #tpu.memory_space<vmem_shared>>
      tpu.enqueue_indirect_dma source(%dma_start3A_93 : memref<80xf32, #tpu.memory_space<vmem>>) target(%dma_start3A_96 : memref<10240xf32, #tpu.memory_space<vmem_shared>>) offsets(%dma_start3A_94 : memref<80xi32, #tpu.memory_space<vmem>>) semaphore(%arg9 : memref<!tpu.dma_semaphore, #tpu.memory_space<semaphore_mem>>) {add = true}
      %mul3A_97 = arith.constant 5 : i32
      %mul3A_98 = arith.muli %mul3A_97, %scan3A_64 : i32
      %add3A_99 = arith.constant 3 : i32
      %add3A_100 = arith.addi %mul3A_98, %add3A_99 : i32
      %mul3A_101 = arith.constant 80 : i32
      %mul3A_102 = arith.muli %add3A_100, %mul3A_101 : i32
      %dma_start3A_103 = arith.constant 0 : i32
      %dma_start3A_104 = tpu.memref_slice %arg5[%dma_start3A_103] : memref<112xf32, #tpu.memory_space<vmem>> -> memref<80xf32, #tpu.memory_space<vmem>>
      %dma_start3A_105 = tpu.memref_slice %arg4[%mul3A_102] : memref<10000xi32, #tpu.memory_space<vmem>> -> memref<80xi32, #tpu.memory_space<vmem>>
      %dma_start3A_106 = arith.constant 0 : i32
      %dma_start3A_107 = tpu.memref_slice %arg8[%dma_start3A_106] : memref<10240xf32, #tpu.memory_space<vmem_shared>> -> memref<10240xf32, #tpu.memory_space<vmem_shared>>
      tpu.enqueue_indirect_dma source(%dma_start3A_104 : memref<80xf32, #tpu.memory_space<vmem>>) target(%dma_start3A_107 : memref<10240xf32, #tpu.memory_space<vmem_shared>>) offsets(%dma_start3A_105 : memref<80xi32, #tpu.memory_space<vmem>>) semaphore(%arg9 : memref<!tpu.dma_semaphore, #tpu.memory_space<semaphore_mem>>) {add = true}
      %mul3A_108 = arith.constant 5 : i32
      %mul3A_109 = arith.muli %mul3A_108, %scan3A_64 : i32
      %add3A_110 = arith.constant 4 : i32
      %add3A_111 = arith.addi %mul3A_109, %add3A_110 : i32
      %mul3A_112 = arith.constant 80 : i32
      %mul3A_113 = arith.muli %add3A_111, %mul3A_112 : i32
      %dma_start3A_114 = arith.constant 0 : i32
      %dma_start3A_115 = tpu.memref_slice %arg5[%dma_start3A_114] : memref<112xf32, #tpu.memory_space<vmem>> -> memref<80xf32, #tpu.memory_space<vmem>>
      %dma_start3A_116 = tpu.memref_slice %arg4[%mul3A_113] : memref<10000xi32, #tpu.memory_space<vmem>> -> memref<80xi32, #tpu.memory_space<vmem>>
      %dma_start3A_117 = arith.constant 0 : i32
      %dma_start3A_118 = tpu.memref_slice %arg8[%dma_start3A_117] : memref<10240xf32, #tpu.memory_space<vmem_shared>> -> memref<10240xf32, #tpu.memory_space<vmem_shared>>
      tpu.enqueue_indirect_dma source(%dma_start3A_115 : memref<80xf32, #tpu.memory_space<vmem>>) target(%dma_start3A_118 : memref<10240xf32, #tpu.memory_space<vmem_shared>>) offsets(%dma_start3A_116 : memref<80xi32, #tpu.memory_space<vmem>>) semaphore(%arg9 : memref<!tpu.dma_semaphore, #tpu.memory_space<semaphore_mem>>) {add = true}
      %mul3A_119 = arith.constant 5 : i32
      %mul3A_120 = arith.muli %mul3A_119, %scan3A_64 : i32
      %add3A_121 = arith.constant 0 : i32
      %add3A_122 = arith.addi %mul3A_120, %add3A_121 : i32
      %mul3A_123 = arith.constant 80 : i32
      %mul3A_124 = arith.muli %add3A_122, %mul3A_123 : i32
      %dma_wait3A = arith.constant 0 : i32
      %dma_wait3A_125 = tpu.memref_slice %arg5[%dma_wait3A] : memref<112xf32, #tpu.memory_space<vmem>> -> memref<80xf32, #tpu.memory_space<vmem>>
      %dma_wait3A_126 = tpu.memref_slice %arg4[%mul3A_124] : memref<10000xi32, #tpu.memory_space<vmem>> -> memref<80xi32, #tpu.memory_space<vmem>>
      %dma_wait3A_127 = arith.constant 0 : i32
      %dma_wait3A_128 = tpu.memref_slice %arg8[%dma_wait3A_127] : memref<10240xf32, #tpu.memory_space<vmem_shared>> -> memref<10240xf32, #tpu.memory_space<vmem_shared>>
      tpu.wait_indirect_dma semaphore(%arg9 : memref<!tpu.dma_semaphore, #tpu.memory_space<semaphore_mem>>) src(%dma_wait3A_125 : memref<80xf32, #tpu.memory_space<vmem>>) dst(%dma_wait3A_128 : memref<10240xf32, #tpu.memory_space<vmem_shared>>)
      %mul3A_129 = arith.constant 5 : i32
      %mul3A_130 = arith.muli %mul3A_129, %scan3A_64 : i32
      %add3A_131 = arith.constant 1 : i32
      %add3A_132 = arith.addi %mul3A_130, %add3A_131 : i32
      %mul3A_133 = arith.constant 80 : i32
      %mul3A_134 = arith.muli %add3A_132, %mul3A_133 : i32
      %dma_wait3A_135 = arith.constant 0 : i32
      %dma_wait3A_136 = tpu.memref_slice %arg5[%dma_wait3A_135] : memref<112xf32, #tpu.memory_space<vmem>> -> memref<80xf32, #tpu.memory_space<vmem>>
      %dma_wait3A_137 = tpu.memref_slice %arg4[%mul3A_134] : memref<10000xi32, #tpu.memory_space<vmem>> -> memref<80xi32, #tpu.memory_space<vmem>>
      %dma_wait3A_138 = arith.constant 0 : i32
      %dma_wait3A_139 = tpu.memref_slice %arg8[%dma_wait3A_138] : memref<10240xf32, #tpu.memory_space<vmem_shared>> -> memref<10240xf32, #tpu.memory_space<vmem_shared>>
      tpu.wait_indirect_dma semaphore(%arg9 : memref<!tpu.dma_semaphore, #tpu.memory_space<semaphore_mem>>) src(%dma_wait3A_136 : memref<80xf32, #tpu.memory_space<vmem>>) dst(%dma_wait3A_139 : memref<10240xf32, #tpu.memory_space<vmem_shared>>)
      %mul3A_140 = arith.constant 5 : i32
      %mul3A_141 = arith.muli %mul3A_140, %scan3A_64 : i32
      %add3A_142 = arith.constant 2 : i32
      %add3A_143 = arith.addi %mul3A_141, %add3A_142 : i32
      %mul3A_144 = arith.constant 80 : i32
      %mul3A_145 = arith.muli %add3A_143, %mul3A_144 : i32
      %dma_wait3A_146 = arith.constant 0 : i32
      %dma_wait3A_147 = tpu.memref_slice %arg5[%dma_wait3A_146] : memref<112xf32, #tpu.memory_space<vmem>> -> memref<80xf32, #tpu.memory_space<vmem>>
      %dma_wait3A_148 = tpu.memref_slice %arg4[%mul3A_145] : memref<10000xi32, #tpu.memory_space<vmem>> -> memref<80xi32, #tpu.memory_space<vmem>>
      %dma_wait3A_149 = arith.constant 0 : i32
      %dma_wait3A_150 = tpu.memref_slice %arg8[%dma_wait3A_149] : memref<10240xf32, #tpu.memory_space<vmem_shared>> -> memref<10240xf32, #tpu.memory_space<vmem_shared>>
      tpu.wait_indirect_dma semaphore(%arg9 : memref<!tpu.dma_semaphore, #tpu.memory_space<semaphore_mem>>) src(%dma_wait3A_147 : memref<80xf32, #tpu.memory_space<vmem>>) dst(%dma_wait3A_150 : memref<10240xf32, #tpu.memory_space<vmem_shared>>)
      %mul3A_151 = arith.constant 5 : i32
      %mul3A_152 = arith.muli %mul3A_151, %scan3A_64 : i32
      %add3A_153 = arith.constant 3 : i32
      %add3A_154 = arith.addi %mul3A_152, %add3A_153 : i32
      %mul3A_155 = arith.constant 80 : i32
      %mul3A_156 = arith.muli %add3A_154, %mul3A_155 : i32
      %dma_wait3A_157 = arith.constant 0 : i32
      %dma_wait3A_158 = tpu.memref_slice %arg5[%dma_wait3A_157] : memref<112xf32, #tpu.memory_space<vmem>> -> memref<80xf32, #tpu.memory_space<vmem>>
      %dma_wait3A_159 = tpu.memref_slice %arg4[%mul3A_156] : memref<10000xi32, #tpu.memory_space<vmem>> -> memref<80xi32, #tpu.memory_space<vmem>>
      %dma_wait3A_160 = arith.constant 0 : i32
      %dma_wait3A_161 = tpu.memref_slice %arg8[%dma_wait3A_160] : memref<10240xf32, #tpu.memory_space<vmem_shared>> -> memref<10240xf32, #tpu.memory_space<vmem_shared>>
      tpu.wait_indirect_dma semaphore(%arg9 : memref<!tpu.dma_semaphore, #tpu.memory_space<semaphore_mem>>) src(%dma_wait3A_158 : memref<80xf32, #tpu.memory_space<vmem>>) dst(%dma_wait3A_161 : memref<10240xf32, #tpu.memory_space<vmem_shared>>)
      %mul3A_162 = arith.constant 5 : i32
      %mul3A_163 = arith.muli %mul3A_162, %scan3A_64 : i32
      %add3A_164 = arith.constant 4 : i32
      %add3A_165 = arith.addi %mul3A_163, %add3A_164 : i32
      %mul3A_166 = arith.constant 80 : i32
      %mul3A_167 = arith.muli %add3A_165, %mul3A_166 : i32
      %dma_wait3A_168 = arith.constant 0 : i32
      %dma_wait3A_169 = tpu.memref_slice %arg5[%dma_wait3A_168] : memref<112xf32, #tpu.memory_space<vmem>> -> memref<80xf32, #tpu.memory_space<vmem>>
      %dma_wait3A_170 = tpu.memref_slice %arg4[%mul3A_167] : memref<10000xi32, #tpu.memory_space<vmem>> -> memref<80xi32, #tpu.memory_space<vmem>>
      %dma_wait3A_171 = arith.constant 0 : i32
      %dma_wait3A_172 = tpu.memref_slice %arg8[%dma_wait3A_171] : memref<10240xf32, #tpu.memory_space<vmem_shared>> -> memref<10240xf32, #tpu.memory_space<vmem_shared>>
      tpu.wait_indirect_dma semaphore(%arg9 : memref<!tpu.dma_semaphore, #tpu.memory_space<semaphore_mem>>) src(%dma_wait3A_169 : memref<80xf32, #tpu.memory_space<vmem>>) dst(%dma_wait3A_172 : memref<10240xf32, #tpu.memory_space<vmem_shared>>)
    }
    %scan3A_53 = arith.constant 25 : i32
    %barrier3A_54 = arith.constant 0 : index
    tpu.barrier barrier_id(%barrier3A_54)
    %mul3A_55 = arith.constant 640 : i32
    %mul3A_56 = arith.muli %arg1, %mul3A_55 : i32
    "tpu.region"() ({
      %run_scoped3A_64 = tpu.sem_alloc : memref<!tpu.dma_semaphore, #tpu.memory_space<semaphore_mem>>
      %dma_start3A = tpu.memref_slice %arg8[%mul3A_56] : memref<10240xf32, #tpu.memory_space<vmem_shared>> -> memref<640xf32, #tpu.memory_space<vmem_shared>>
      %dma_start3A_65 = tpu.memref_slice %arg8[%mul3A_56] : memref<10240xf32, #tpu.memory_space<vmem_shared>> -> memref<640xf32, #tpu.memory_space<vmem_shared>>
      tpu.enqueue_dma source(%dma_start3A_65 : memref<640xf32, #tpu.memory_space<vmem_shared>>) target(%arg6 : memref<640xf32, #tpu.memory_space<vmem>>) target_semaphore(%run_scoped3A_64 : memref<!tpu.dma_semaphore, #tpu.memory_space<semaphore_mem>>)
      %dma_wait3A = tpu.memref_slice %arg8[%mul3A_56] : memref<10240xf32, #tpu.memory_space<vmem_shared>> -> memref<640xf32, #tpu.memory_space<vmem_shared>>
      %dma_wait3A_66 = tpu.memref_slice %arg8[%mul3A_56] : memref<10240xf32, #tpu.memory_space<vmem_shared>> -> memref<640xf32, #tpu.memory_space<vmem_shared>>
      tpu.wait_dma2 semaphore(%run_scoped3A_64 : memref<!tpu.dma_semaphore, #tpu.memory_space<semaphore_mem>>) src(%dma_wait3A_66 : memref<640xf32, #tpu.memory_space<vmem_shared>>) dst(%arg6 : memref<640xf32, #tpu.memory_space<vmem>>)
      tpu.yield
    }) : () -> ()
    %scan3A_57 = arith.constant 0 : i32
    %scan3A_58 = arith.constant 5 : i32
    %scan3A_59 = arith.addi %scan3A_57, %scan3A_58 : i32
    %scan3A_60 = arith.constant 1 : i32
    scf.for %scan3A_64 = %scan3A_57 to %scan3A_59 step %scan3A_60  : i32 {
      %mul3A_65 = arith.constant 128 : i32
      %mul3A_66 = arith.muli %scan3A_64, %mul3A_65 : i32
      %add3A_67 = arith.constant 0 : i32
      %add3A_68 = arith.addi %mul3A_66, %add3A_67 : i32
      %get3A = arith.index_cast %add3A_68 : i32 to index
      %get3A_69 = tpu.vector_load %arg6[%get3A] {strides = array<i32>} : memref<640xf32, #tpu.memory_space<vmem>>, vector<16xf32>,
      %get3A_70 = vector.shape_cast %get3A_69 : vector<16xf32> to vector<16xf32>
      %swap3A_71 = arith.index_cast %scan3A_64 : i32 to index
      %swap3A_72 = arith.constant 0 : index
      %swap3A_73 = tpu.vector_load %arg7[%swap3A_71, %swap3A_72] {strides = array<i32>} : memref<5x128xf32, #tpu.memory_space<vmem>>, vector<1x16xf32>,
      %swap3A_74 = vector.shape_cast %swap3A_73 : vector<1x16xf32> to vector<16xf32>
      %swap3A_75 = vector.shape_cast %get3A_70 : vector<16xf32> to vector<1x16xf32>
      tpu.vector_store %arg7[%swap3A_71, %swap3A_72], %swap3A_75 {strides = array<i32>} : memref<5x128xf32, #tpu.memory_space<vmem>>, vector<1x16xf32>,
      %mul3A_76 = arith.constant 128 : i32
      %mul3A_77 = arith.muli %scan3A_64, %mul3A_76 : i32
      %add3A_78 = arith.constant 16 : i32
      %add3A_79 = arith.addi %mul3A_77, %add3A_78 : i32
      %get3A_80 = arith.index_cast %add3A_79 : i32 to index
      %get3A_81 = tpu.vector_load %arg6[%get3A_80] {strides = array<i32>} : memref<640xf32, #tpu.memory_space<vmem>>, vector<16xf32>,
      %get3A_82 = vector.shape_cast %get3A_81 : vector<16xf32> to vector<16xf32>
      %swap3A_83 = arith.index_cast %scan3A_64 : i32 to index
      %swap3A_84 = arith.constant 16 : index
      %swap3A_85 = tpu.vector_load %arg7[%swap3A_83, %swap3A_84] {strides = array<i32>} : memref<5x128xf32, #tpu.memory_space<vmem>>, vector<1x16xf32>,
      %swap3A_86 = vector.shape_cast %swap3A_85 : vector<1x16xf32> to vector<16xf32>
      %swap3A_87 = vector.shape_cast %get3A_82 : vector<16xf32> to vector<1x16xf32>
      tpu.vector_store %arg7[%swap3A_83, %swap3A_84], %swap3A_87 {strides = array<i32>} : memref<5x128xf32, #tpu.memory_space<vmem>>, vector<1x16xf32>,
      %mul3A_88 = arith.constant 128 : i32
      %mul3A_89 = arith.muli %scan3A_64, %mul3A_88 : i32
      %add3A_90 = arith.constant 32 : i32
      %add3A_91 = arith.addi %mul3A_89, %add3A_90 : i32
      %get3A_92 = arith.index_cast %add3A_91 : i32 to index
      %get3A_93 = tpu.vector_load %arg6[%get3A_92] {strides = array<i32>} : memref<640xf32, #tpu.memory_space<vmem>>, vector<16xf32>,
      %get3A_94 = vector.shape_cast %get3A_93 : vector<16xf32> to vector<16xf32>
      %swap3A_95 = arith.index_cast %scan3A_64 : i32 to index
      %swap3A_96 = arith.constant 32 : index
      %swap3A_97 = tpu.vector_load %arg7[%swap3A_95, %swap3A_96] {strides = array<i32>} : memref<5x128xf32, #tpu.memory_space<vmem>>, vector<1x16xf32>,
      %swap3A_98 = vector.shape_cast %swap3A_97 : vector<1x16xf32> to vector<16xf32>
      %swap3A_99 = vector.shape_cast %get3A_94 : vector<16xf32> to vector<1x16xf32>
      tpu.vector_store %arg7[%swap3A_95, %swap3A_96], %swap3A_99 {strides = array<i32>} : memref<5x128xf32, #tpu.memory_space<vmem>>, vector<1x16xf32>,
      %mul3A_100 = arith.constant 128 : i32
      %mul3A_101 = arith.muli %scan3A_64, %mul3A_100 : i32
      %add3A_102 = arith.constant 48 : i32
      %add3A_103 = arith.addi %mul3A_101, %add3A_102 : i32
      %get3A_104 = arith.index_cast %add3A_103 : i32 to index
      %get3A_105 = tpu.vector_load %arg6[%get3A_104] {strides = array<i32>} : memref<640xf32, #tpu.memory_space<vmem>>, vector<16xf32>,
      %get3A_106 = vector.shape_cast %get3A_105 : vector<16xf32> to vector<16xf32>
      %swap3A_107 = arith.index_cast %scan3A_64 : i32 to index
      %swap3A_108 = arith.constant 48 : index
      %swap3A_109 = tpu.vector_load %arg7[%swap3A_107, %swap3A_108] {strides = array<i32>} : memref<5x128xf32, #tpu.memory_space<vmem>>, vector<1x16xf32>,
      %swap3A_110 = vector.shape_cast %swap3A_109 : vector<1x16xf32> to vector<16xf32>
      %swap3A_111 = vector.shape_cast %get3A_106 : vector<16xf32> to vector<1x16xf32>
      tpu.vector_store %arg7[%swap3A_107, %swap3A_108], %swap3A_111 {strides = array<i32>} : memref<5x128xf32, #tpu.memory_space<vmem>>, vector<1x16xf32>,
      %mul3A_112 = arith.constant 128 : i32
      %mul3A_113 = arith.muli %scan3A_64, %mul3A_112 : i32
      %add3A_114 = arith.constant 64 : i32
      %add3A_115 = arith.addi %mul3A_113, %add3A_114 : i32
      %get3A_116 = arith.index_cast %add3A_115 : i32 to index
      %get3A_117 = tpu.vector_load %arg6[%get3A_116] {strides = array<i32>} : memref<640xf32, #tpu.memory_space<vmem>>, vector<16xf32>,
      %get3A_118 = vector.shape_cast %get3A_117 : vector<16xf32> to vector<16xf32>
      %swap3A_119 = arith.index_cast %scan3A_64 : i32 to index
      %swap3A_120 = arith.constant 64 : index
      %swap3A_121 = tpu.vector_load %arg7[%swap3A_119, %swap3A_120] {strides = array<i32>} : memref<5x128xf32, #tpu.memory_space<vmem>>, vector<1x16xf32>,
      %swap3A_122 = vector.shape_cast %swap3A_121 : vector<1x16xf32> to vector<16xf32>
      %swap3A_123 = vector.shape_cast %get3A_118 : vector<16xf32> to vector<1x16xf32>
      tpu.vector_store %arg7[%swap3A_119, %swap3A_120], %swap3A_123 {strides = array<i32>} : memref<5x128xf32, #tpu.memory_space<vmem>>, vector<1x16xf32>,
      %mul3A_124 = arith.constant 128 : i32
      %mul3A_125 = arith.muli %scan3A_64, %mul3A_124 : i32
      %add3A_126 = arith.constant 80 : i32
      %add3A_127 = arith.addi %mul3A_125, %add3A_126 : i32
      %get3A_128 = arith.index_cast %add3A_127 : i32 to index
      %get3A_129 = tpu.vector_load %arg6[%get3A_128] {strides = array<i32>} : memref<640xf32, #tpu.memory_space<vmem>>, vector<16xf32>,
      %get3A_130 = vector.shape_cast %get3A_129 : vector<16xf32> to vector<16xf32>
      %swap3A_131 = arith.index_cast %scan3A_64 : i32 to index
      %swap3A_132 = arith.constant 80 : index
      %swap3A_133 = tpu.vector_load %arg7[%swap3A_131, %swap3A_132] {strides = array<i32>} : memref<5x128xf32, #tpu.memory_space<vmem>>, vector<1x16xf32>,
      %swap3A_134 = vector.shape_cast %swap3A_133 : vector<1x16xf32> to vector<16xf32>
      %swap3A_135 = vector.shape_cast %get3A_130 : vector<16xf32> to vector<1x16xf32>
      tpu.vector_store %arg7[%swap3A_131, %swap3A_132], %swap3A_135 {strides = array<i32>} : memref<5x128xf32, #tpu.memory_space<vmem>>, vector<1x16xf32>,
      %mul3A_136 = arith.constant 128 : i32
      %mul3A_137 = arith.muli %scan3A_64, %mul3A_136 : i32
      %add3A_138 = arith.constant 96 : i32
      %add3A_139 = arith.addi %mul3A_137, %add3A_138 : i32
      %get3A_140 = arith.index_cast %add3A_139 : i32 to index
      %get3A_141 = tpu.vector_load %arg6[%get3A_140] {strides = array<i32>} : memref<640xf32, #tpu.memory_space<vmem>>, vector<16xf32>,
      %get3A_142 = vector.shape_cast %get3A_141 : vector<16xf32> to vector<16xf32>
      %swap3A_143 = arith.index_cast %scan3A_64 : i32 to index
      %swap3A_144 = arith.constant 96 : index
      %swap3A_145 = tpu.vector_load %arg7[%swap3A_143, %swap3A_144] {strides = array<i32>} : memref<5x128xf32, #tpu.memory_space<vmem>>, vector<1x16xf32>,
      %swap3A_146 = vector.shape_cast %swap3A_145 : vector<1x16xf32> to vector<16xf32>
      %swap3A_147 = vector.shape_cast %get3A_142 : vector<16xf32> to vector<1x16xf32>
      tpu.vector_store %arg7[%swap3A_143, %swap3A_144], %swap3A_147 {strides = array<i32>} : memref<5x128xf32, #tpu.memory_space<vmem>>, vector<1x16xf32>,
      %mul3A_148 = arith.constant 128 : i32
      %mul3A_149 = arith.muli %scan3A_64, %mul3A_148 : i32
      %add3A_150 = arith.constant 112 : i32
      %add3A_151 = arith.addi %mul3A_149, %add3A_150 : i32
      %get3A_152 = arith.index_cast %add3A_151 : i32 to index
      %get3A_153 = tpu.vector_load %arg6[%get3A_152] {strides = array<i32>} : memref<640xf32, #tpu.memory_space<vmem>>, vector<16xf32>,
      %get3A_154 = vector.shape_cast %get3A_153 : vector<16xf32> to vector<16xf32>
      %swap3A_155 = arith.index_cast %scan3A_64 : i32 to index
      %swap3A_156 = arith.constant 112 : index
      %swap3A_157 = tpu.vector_load %arg7[%swap3A_155, %swap3A_156] {strides = array<i32>} : memref<5x128xf32, #tpu.memory_space<vmem>>, vector<1x16xf32>,
      %swap3A_158 = vector.shape_cast %swap3A_157 : vector<1x16xf32> to vector<16xf32>
      %swap3A_159 = vector.shape_cast %get3A_154 : vector<16xf32> to vector<1x16xf32>
      tpu.vector_store %arg7[%swap3A_155, %swap3A_156], %swap3A_159 {strides = array<i32>} : memref<5x128xf32, #tpu.memory_space<vmem>>, vector<1x16xf32>,
    }
    %scan3A_61 = arith.constant 5 : i32
    %mul3A_62 = arith.constant 5 : i32
    %mul3A_63 = arith.muli %arg1, %mul3A_62 : i32
    "tpu.region"() ({
      %run_scoped3A_64 = tpu.sem_alloc : memref<!tpu.dma_semaphore, #tpu.memory_space<semaphore_mem>>
      %dma_start3A = arith.constant 0 : i32
      %dma_start3A_65 = tpu.memref_slice %arg3[%arg0, %mul3A_63, %dma_start3A] : memref<2x80x128xf32, #tpu.memory_space<hbm>> -> memref<1x5x128xf32, #tpu.memory_space<hbm>>
      %dma_start3A_66 = tpu.memref_squeeze %dma_start3A_65 : memref<1x5x128xf32, #tpu.memory_space<hbm>> -> memref<5x128xf32, #tpu.memory_space<hbm>>
      %dma_start3A_67 = arith.constant 0 : i32
      %dma_start3A_68 = tpu.memref_slice %arg3[%arg0, %mul3A_63, %dma_start3A_67] : memref<2x80x128xf32, #tpu.memory_space<hbm>> -> memref<1x5x128xf32, #tpu.memory_space<hbm>>
      %dma_start3A_69 = tpu.memref_squeeze %dma_start3A_68 : memref<1x5x128xf32, #tpu.memory_space<hbm>> -> memref<5x128xf32, #tpu.memory_space<hbm>>
      tpu.enqueue_dma source(%arg7 : memref<5x128xf32, #tpu.memory_space<vmem>>) target(%dma_start3A_69 : memref<5x128xf32, #tpu.memory_space<hbm>>) target_semaphore(%run_scoped3A_64 : memref<!tpu.dma_semaphore, #tpu.memory_space<semaphore_mem>>)
      %dma_wait3A = arith.constant 0 : i32
      %dma_wait3A_70 = tpu.memref_slice %arg3[%arg0, %mul3A_63, %dma_wait3A] : memref<2x80x128xf32, #tpu.memory_space<hbm>> -> memref<1x5x128xf32, #tpu.memory_space<hbm>>
      %dma_wait3A_71 = tpu.memref_squeeze %dma_wait3A_70 : memref<1x5x128xf32, #tpu.memory_space<hbm>> -> memref<5x128xf32, #tpu.memory_space<hbm>>
      %dma_wait3A_72 = arith.constant 0 : i32
      %dma_wait3A_73 = tpu.memref_slice %arg3[%arg0, %mul3A_63, %dma_wait3A_72] : memref<2x80x128xf32, #tpu.memory_space<hbm>> -> memref<1x5x128xf32, #tpu.memory_space<hbm>>
      %dma_wait3A_74 = tpu.memref_squeeze %dma_wait3A_73 : memref<1x5x128xf32, #tpu.memory_space<hbm>> -> memref<5x128xf32, #tpu.memory_space<hbm>>
      tpu.wait_dma2 semaphore(%run_scoped3A_64 : memref<!tpu.dma_semaphore, #tpu.memory_space<semaphore_mem>>) src(%arg7 : memref<5x128xf32, #tpu.memory_space<vmem>>) dst(%dma_wait3A_74 : memref<5x128xf32, #tpu.memory_space<hbm>>)
      tpu.yield
    }) : () -> ()
    return
  }
}

#map = affine_map<(d0, d1) -> (0, 0)>
#map1 = affine_map<(d0, d1) -> (0, 0, 0)>
module attributes {stable_mosaic.version = 14 : i64} {
  func.func @_agg_kernel(%arg0: i32, %arg1: i32, %arg2: memref<10240x64xf32, #tpu.memory_space<hbm>>, %arg3: memref<2x320000xi32, #tpu.memory_space<hbm>>, %arg4: memref<2x10240x128xf32, #tpu.memory_space<hbm>>, %arg5: memref<10000xi32, #tpu.memory_space<vmem>>, %arg6: memref<10000xi32, #tpu.memory_space<vmem>>, %arg7: memref<80x64xf32, #tpu.memory_space<vmem>>, %arg8: memref<80x64xf32, #tpu.memory_space<vmem>>, %arg9: memref<10240x64xf32, #tpu.memory_space<vmem_shared>>, %arg10: memref<10240x64xf32, #tpu.memory_space<vmem_shared>>, %arg11: memref<!tpu.dma_semaphore, #tpu.memory_space<semaphore_mem>>, %arg12: memref<!tpu.dma_semaphore, #tpu.memory_space<semaphore_mem>>) attributes {dimension_semantics = [#tpu.dimension_semantics<core_parallel>, #tpu.dimension_semantics<subcore_parallel>], iteration_bounds = array<i64: 2, 16>, scalar_prefetch = 0 : i64, scratch_operands = 8 : i64, tpu.core_type = #tpu.core_type<sc_vector_subcore>, window_params = [{transform_indices = #map}, {transform_indices = #map}, {transform_indices = #map1}]} {
    %mul3A = arith.constant 16 : i32
    %mul3A_0 = arith.muli %arg0, %mul3A : i32
    %add3A = arith.addi %mul3A_0, %arg1 : i32
    %mul3A_1 = arith.constant 10000 : i32
    %mul3A_2 = arith.muli %add3A, %mul3A_1 : i32
    %run_scoped3A = arith.constant 0 : i32
    "tpu.region"() ({
      %run_scoped3A_90 = tpu.sem_alloc : memref<!tpu.dma_semaphore, #tpu.memory_space<semaphore_mem>>
      %dma_start3A_91 = tpu.memref_slice %arg3[%run_scoped3A, %mul3A_2] : memref<2x320000xi32, #tpu.memory_space<hbm>> -> memref<1x10000xi32, #tpu.memory_space<hbm>>
      %dma_start3A_92 = tpu.memref_squeeze %dma_start3A_91 : memref<1x10000xi32, #tpu.memory_space<hbm>> -> memref<10000xi32, #tpu.memory_space<hbm>>
      %dma_start3A_93 = tpu.memref_slice %arg3[%run_scoped3A, %mul3A_2] : memref<2x320000xi32, #tpu.memory_space<hbm>> -> memref<1x10000xi32, #tpu.memory_space<hbm>>
      %dma_start3A_94 = tpu.memref_squeeze %dma_start3A_93 : memref<1x10000xi32, #tpu.memory_space<hbm>> -> memref<10000xi32, #tpu.memory_space<hbm>>
      tpu.enqueue_dma source(%dma_start3A_94 : memref<10000xi32, #tpu.memory_space<hbm>>) target(%arg5 : memref<10000xi32, #tpu.memory_space<vmem>>) target_semaphore(%run_scoped3A_90 : memref<!tpu.dma_semaphore, #tpu.memory_space<semaphore_mem>>)
      %dma_wait3A_95 = tpu.memref_slice %arg3[%run_scoped3A, %mul3A_2] : memref<2x320000xi32, #tpu.memory_space<hbm>> -> memref<1x10000xi32, #tpu.memory_space<hbm>>
      %dma_wait3A_96 = tpu.memref_squeeze %dma_wait3A_95 : memref<1x10000xi32, #tpu.memory_space<hbm>> -> memref<10000xi32, #tpu.memory_space<hbm>>
      %dma_wait3A_97 = tpu.memref_slice %arg3[%run_scoped3A, %mul3A_2] : memref<2x320000xi32, #tpu.memory_space<hbm>> -> memref<1x10000xi32, #tpu.memory_space<hbm>>
      %dma_wait3A_98 = tpu.memref_squeeze %dma_wait3A_97 : memref<1x10000xi32, #tpu.memory_space<hbm>> -> memref<10000xi32, #tpu.memory_space<hbm>>
      tpu.wait_dma2 semaphore(%run_scoped3A_90 : memref<!tpu.dma_semaphore, #tpu.memory_space<semaphore_mem>>) src(%dma_wait3A_98 : memref<10000xi32, #tpu.memory_space<hbm>>) dst(%arg5 : memref<10000xi32, #tpu.memory_space<vmem>>)
      tpu.yield
    }) : () -> ()
    %run_scoped3A_3 = arith.constant 1 : i32
    "tpu.region"() ({
      %run_scoped3A_90 = tpu.sem_alloc : memref<!tpu.dma_semaphore, #tpu.memory_space<semaphore_mem>>
      %dma_start3A_91 = tpu.memref_slice %arg3[%run_scoped3A_3, %mul3A_2] : memref<2x320000xi32, #tpu.memory_space<hbm>> -> memref<1x10000xi32, #tpu.memory_space<hbm>>
      %dma_start3A_92 = tpu.memref_squeeze %dma_start3A_91 : memref<1x10000xi32, #tpu.memory_space<hbm>> -> memref<10000xi32, #tpu.memory_space<hbm>>
      %dma_start3A_93 = tpu.memref_slice %arg3[%run_scoped3A_3, %mul3A_2] : memref<2x320000xi32, #tpu.memory_space<hbm>> -> memref<1x10000xi32, #tpu.memory_space<hbm>>
      %dma_start3A_94 = tpu.memref_squeeze %dma_start3A_93 : memref<1x10000xi32, #tpu.memory_space<hbm>> -> memref<10000xi32, #tpu.memory_space<hbm>>
      tpu.enqueue_dma source(%dma_start3A_94 : memref<10000xi32, #tpu.memory_space<hbm>>) target(%arg6 : memref<10000xi32, #tpu.memory_space<vmem>>) target_semaphore(%run_scoped3A_90 : memref<!tpu.dma_semaphore, #tpu.memory_space<semaphore_mem>>)
      %dma_wait3A_95 = tpu.memref_slice %arg3[%run_scoped3A_3, %mul3A_2] : memref<2x320000xi32, #tpu.memory_space<hbm>> -> memref<1x10000xi32, #tpu.memory_space<hbm>>
      %dma_wait3A_96 = tpu.memref_squeeze %dma_wait3A_95 : memref<1x10000xi32, #tpu.memory_space<hbm>> -> memref<10000xi32, #tpu.memory_space<hbm>>
      %dma_wait3A_97 = tpu.memref_slice %arg3[%run_scoped3A_3, %mul3A_2] : memref<2x320000xi32, #tpu.memory_space<hbm>> -> memref<1x10000xi32, #tpu.memory_space<hbm>>
      %dma_wait3A_98 = tpu.memref_squeeze %dma_wait3A_97 : memref<1x10000xi32, #tpu.memory_space<hbm>> -> memref<10000xi32, #tpu.memory_space<hbm>>
      tpu.wait_dma2 semaphore(%run_scoped3A_90 : memref<!tpu.dma_semaphore, #tpu.memory_space<semaphore_mem>>) src(%dma_wait3A_98 : memref<10000xi32, #tpu.memory_space<hbm>>) dst(%arg6 : memref<10000xi32, #tpu.memory_space<vmem>>)
      tpu.yield
    }) : () -> ()
    %mul3A_4 = arith.constant 640 : i32
    %mul3A_5 = arith.muli %arg1, %mul3A_4 : i32
    %mul3A_6 = arith.constant 640 : i32
    %mul3A_7 = arith.muli %arg1, %mul3A_6 : i32
    "tpu.region"() ({
      %run_scoped3A_90 = tpu.sem_alloc : memref<!tpu.dma_semaphore, #tpu.memory_space<semaphore_mem>>
      %dma_start3A_91 = arith.constant 0 : i32
      %dma_start3A_92 = tpu.memref_slice %arg9[%mul3A_7, %dma_start3A_91] : memref<10240x64xf32, #tpu.memory_space<vmem_shared>> -> memref<640x64xf32, #tpu.memory_space<vmem_shared>>
      %dma_start3A_93 = arith.constant 0 : i32
      %dma_start3A_94 = tpu.memref_slice %arg2[%mul3A_5, %dma_start3A_93] : memref<10240x64xf32, #tpu.memory_space<hbm>> -> memref<640x64xf32, #tpu.memory_space<hbm>>
      tpu.enqueue_dma source(%dma_start3A_94 : memref<640x64xf32, #tpu.memory_space<hbm>>) target(%dma_start3A_92 : memref<640x64xf32, #tpu.memory_space<vmem_shared>>) target_semaphore(%run_scoped3A_90 : memref<!tpu.dma_semaphore, #tpu.memory_space<semaphore_mem>>)
      %dma_wait3A_95 = arith.constant 0 : i32
      %dma_wait3A_96 = tpu.memref_slice %arg9[%mul3A_7, %dma_wait3A_95] : memref<10240x64xf32, #tpu.memory_space<vmem_shared>> -> memref<640x64xf32, #tpu.memory_space<vmem_shared>>
      %dma_wait3A_97 = arith.constant 0 : i32
      %dma_wait3A_98 = tpu.memref_slice %arg2[%mul3A_5, %dma_wait3A_97] : memref<10240x64xf32, #tpu.memory_space<hbm>> -> memref<640x64xf32, #tpu.memory_space<hbm>>
      tpu.wait_dma2 semaphore(%run_scoped3A_90 : memref<!tpu.dma_semaphore, #tpu.memory_space<semaphore_mem>>) src(%dma_wait3A_98 : memref<640x64xf32, #tpu.memory_space<hbm>>) dst(%dma_wait3A_96 : memref<640x64xf32, #tpu.memory_space<vmem_shared>>)
      tpu.yield
    }) : () -> ()
    %scan3A = arith.constant 0 : i32
    %scan3A_8 = arith.constant 80 : i32
    %scan3A_9 = arith.addi %scan3A, %scan3A_8 : i32
    %scan3A_10 = arith.constant 1 : i32
    scf.for %scan3A_90 = %scan3A to %scan3A_9 step %scan3A_10  : i32 {
      %broadcast_in_dim3A = arith.constant 0.000000e+00 : f32
      %broadcast_in_dim3A_91 = vector.broadcast %broadcast_in_dim3A : f32 to vector<16xf32>
      %swap3A = arith.index_cast %scan3A_90 : i32 to index
      %swap3A_92 = arith.constant 0 : index
      %swap3A_93 = tpu.vector_load %arg7[%swap3A, %swap3A_92] {strides = array<i32>} : memref<80x64xf32, #tpu.memory_space<vmem>>, vector<1x16xf32>,
      %swap3A_94 = vector.shape_cast %swap3A_93 : vector<1x16xf32> to vector<16xf32>
      %swap3A_95 = vector.shape_cast %broadcast_in_dim3A_91 : vector<16xf32> to vector<1x16xf32>
      tpu.vector_store %arg7[%swap3A, %swap3A_92], %swap3A_95 {strides = array<i32>} : memref<80x64xf32, #tpu.memory_space<vmem>>, vector<1x16xf32>,
      %broadcast_in_dim3A_96 = arith.constant 0.000000e+00 : f32
      %broadcast_in_dim3A_97 = vector.broadcast %broadcast_in_dim3A_96 : f32 to vector<16xf32>
      %swap3A_98 = arith.index_cast %scan3A_90 : i32 to index
      %swap3A_99 = arith.constant 16 : index
      %swap3A_100 = tpu.vector_load %arg7[%swap3A_98, %swap3A_99] {strides = array<i32>} : memref<80x64xf32, #tpu.memory_space<vmem>>, vector<1x16xf32>,
      %swap3A_101 = vector.shape_cast %swap3A_100 : vector<1x16xf32> to vector<16xf32>
      %swap3A_102 = vector.shape_cast %broadcast_in_dim3A_97 : vector<16xf32> to vector<1x16xf32>
      tpu.vector_store %arg7[%swap3A_98, %swap3A_99], %swap3A_102 {strides = array<i32>} : memref<80x64xf32, #tpu.memory_space<vmem>>, vector<1x16xf32>,
      %broadcast_in_dim3A_103 = arith.constant 0.000000e+00 : f32
      %broadcast_in_dim3A_104 = vector.broadcast %broadcast_in_dim3A_103 : f32 to vector<16xf32>
      %swap3A_105 = arith.index_cast %scan3A_90 : i32 to index
      %swap3A_106 = arith.constant 32 : index
      %swap3A_107 = tpu.vector_load %arg7[%swap3A_105, %swap3A_106] {strides = array<i32>} : memref<80x64xf32, #tpu.memory_space<vmem>>, vector<1x16xf32>,
      %swap3A_108 = vector.shape_cast %swap3A_107 : vector<1x16xf32> to vector<16xf32>
      %swap3A_109 = vector.shape_cast %broadcast_in_dim3A_104 : vector<16xf32> to vector<1x16xf32>
      tpu.vector_store %arg7[%swap3A_105, %swap3A_106], %swap3A_109 {strides = array<i32>} : memref<80x64xf32, #tpu.memory_space<vmem>>, vector<1x16xf32>,
      %broadcast_in_dim3A_110 = arith.constant 0.000000e+00 : f32
      %broadcast_in_dim3A_111 = vector.broadcast %broadcast_in_dim3A_110 : f32 to vector<16xf32>
      %swap3A_112 = arith.index_cast %scan3A_90 : i32 to index
      %swap3A_113 = arith.constant 48 : index
      %swap3A_114 = tpu.vector_load %arg7[%swap3A_112, %swap3A_113] {strides = array<i32>} : memref<80x64xf32, #tpu.memory_space<vmem>>, vector<1x16xf32>,
      %swap3A_115 = vector.shape_cast %swap3A_114 : vector<1x16xf32> to vector<16xf32>
      %swap3A_116 = vector.shape_cast %broadcast_in_dim3A_111 : vector<16xf32> to vector<1x16xf32>
      tpu.vector_store %arg7[%swap3A_112, %swap3A_113], %swap3A_116 {strides = array<i32>} : memref<80x64xf32, #tpu.memory_space<vmem>>, vector<1x16xf32>,
    }
    %scan3A_11 = arith.constant 80 : i32
    %mul3A_12 = arith.constant 640 : i32
    %mul3A_13 = arith.muli %arg1, %mul3A_12 : i32
    %add3A_14 = arith.constant 0 : i32
    %add3A_15 = arith.addi %mul3A_13, %add3A_14 : i32
    "tpu.region"() ({
      %run_scoped3A_90 = tpu.sem_alloc : memref<!tpu.dma_semaphore, #tpu.memory_space<semaphore_mem>>
      %dma_start3A_91 = arith.constant 0 : i32
      %dma_start3A_92 = arith.constant 0 : i32
      %dma_start3A_93 = tpu.memref_slice %arg7[%dma_start3A_91, %dma_start3A_92] : memref<80x64xf32, #tpu.memory_space<vmem>> -> memref<80x64xf32, #tpu.memory_space<vmem>>
      %dma_start3A_94 = arith.constant 0 : i32
      %dma_start3A_95 = tpu.memref_slice %arg10[%add3A_15, %dma_start3A_94] : memref<10240x64xf32, #tpu.memory_space<vmem_shared>> -> memref<80x64xf32, #tpu.memory_space<vmem_shared>>
      %dma_start3A_96 = arith.constant 0 : i32
      %dma_start3A_97 = tpu.memref_slice %arg10[%add3A_15, %dma_start3A_96] : memref<10240x64xf32, #tpu.memory_space<vmem_shared>> -> memref<80x64xf32, #tpu.memory_space<vmem_shared>>
      %dma_start3A_98 = arith.constant 0 : i32
      %dma_start3A_99 = arith.constant 0 : i32
      %dma_start3A_100 = tpu.memref_slice %arg7[%dma_start3A_98, %dma_start3A_99] : memref<80x64xf32, #tpu.memory_space<vmem>> -> memref<80x64xf32, #tpu.memory_space<vmem>>
      tpu.enqueue_dma source(%dma_start3A_100 : memref<80x64xf32, #tpu.memory_space<vmem>>) target(%dma_start3A_97 : memref<80x64xf32, #tpu.memory_space<vmem_shared>>) target_semaphore(%run_scoped3A_90 : memref<!tpu.dma_semaphore, #tpu.memory_space<semaphore_mem>>)
      %dma_wait3A_101 = arith.constant 0 : i32
      %dma_wait3A_102 = arith.constant 0 : i32
      %dma_wait3A_103 = tpu.memref_slice %arg7[%dma_wait3A_101, %dma_wait3A_102] : memref<80x64xf32, #tpu.memory_space<vmem>> -> memref<80x64xf32, #tpu.memory_space<vmem>>
      %dma_wait3A_104 = arith.constant 0 : i32
      %dma_wait3A_105 = tpu.memref_slice %arg10[%add3A_15, %dma_wait3A_104] : memref<10240x64xf32, #tpu.memory_space<vmem_shared>> -> memref<80x64xf32, #tpu.memory_space<vmem_shared>>
      %dma_wait3A_106 = arith.constant 0 : i32
      %dma_wait3A_107 = tpu.memref_slice %arg10[%add3A_15, %dma_wait3A_106] : memref<10240x64xf32, #tpu.memory_space<vmem_shared>> -> memref<80x64xf32, #tpu.memory_space<vmem_shared>>
      %dma_wait3A_108 = arith.constant 0 : i32
      %dma_wait3A_109 = arith.constant 0 : i32
      %dma_wait3A_110 = tpu.memref_slice %arg7[%dma_wait3A_108, %dma_wait3A_109] : memref<80x64xf32, #tpu.memory_space<vmem>> -> memref<80x64xf32, #tpu.memory_space<vmem>>
      tpu.wait_dma2 semaphore(%run_scoped3A_90 : memref<!tpu.dma_semaphore, #tpu.memory_space<semaphore_mem>>) src(%dma_wait3A_110 : memref<80x64xf32, #tpu.memory_space<vmem>>) dst(%dma_wait3A_107 : memref<80x64xf32, #tpu.memory_space<vmem_shared>>)
      tpu.yield
    }) : () -> ()
    %mul3A_16 = arith.constant 640 : i32
    %mul3A_17 = arith.muli %arg1, %mul3A_16 : i32
    %add3A_18 = arith.constant 80 : i32
    %add3A_19 = arith.addi %mul3A_17, %add3A_18 : i32
    "tpu.region"() ({
      %run_scoped3A_90 = tpu.sem_alloc : memref<!tpu.dma_semaphore, #tpu.memory_space<semaphore_mem>>
      %dma_start3A_91 = arith.constant 0 : i32
      %dma_start3A_92 = arith.constant 0 : i32
      %dma_start3A_93 = tpu.memref_slice %arg7[%dma_start3A_91, %dma_start3A_92] : memref<80x64xf32, #tpu.memory_space<vmem>> -> memref<80x64xf32, #tpu.memory_space<vmem>>
      %dma_start3A_94 = arith.constant 0 : i32
      %dma_start3A_95 = tpu.memref_slice %arg10[%add3A_19, %dma_start3A_94] : memref<10240x64xf32, #tpu.memory_space<vmem_shared>> -> memref<80x64xf32, #tpu.memory_space<vmem_shared>>
      %dma_start3A_96 = arith.constant 0 : i32
      %dma_start3A_97 = tpu.memref_slice %arg10[%add3A_19, %dma_start3A_96] : memref<10240x64xf32, #tpu.memory_space<vmem_shared>> -> memref<80x64xf32, #tpu.memory_space<vmem_shared>>
      %dma_start3A_98 = arith.constant 0 : i32
      %dma_start3A_99 = arith.constant 0 : i32
      %dma_start3A_100 = tpu.memref_slice %arg7[%dma_start3A_98, %dma_start3A_99] : memref<80x64xf32, #tpu.memory_space<vmem>> -> memref<80x64xf32, #tpu.memory_space<vmem>>
      tpu.enqueue_dma source(%dma_start3A_100 : memref<80x64xf32, #tpu.memory_space<vmem>>) target(%dma_start3A_97 : memref<80x64xf32, #tpu.memory_space<vmem_shared>>) target_semaphore(%run_scoped3A_90 : memref<!tpu.dma_semaphore, #tpu.memory_space<semaphore_mem>>)
      %dma_wait3A_101 = arith.constant 0 : i32
      %dma_wait3A_102 = arith.constant 0 : i32
      %dma_wait3A_103 = tpu.memref_slice %arg7[%dma_wait3A_101, %dma_wait3A_102] : memref<80x64xf32, #tpu.memory_space<vmem>> -> memref<80x64xf32, #tpu.memory_space<vmem>>
      %dma_wait3A_104 = arith.constant 0 : i32
      %dma_wait3A_105 = tpu.memref_slice %arg10[%add3A_19, %dma_wait3A_104] : memref<10240x64xf32, #tpu.memory_space<vmem_shared>> -> memref<80x64xf32, #tpu.memory_space<vmem_shared>>
      %dma_wait3A_106 = arith.constant 0 : i32
      %dma_wait3A_107 = tpu.memref_slice %arg10[%add3A_19, %dma_wait3A_106] : memref<10240x64xf32, #tpu.memory_space<vmem_shared>> -> memref<80x64xf32, #tpu.memory_space<vmem_shared>>
      %dma_wait3A_108 = arith.constant 0 : i32
      %dma_wait3A_109 = arith.constant 0 : i32
      %dma_wait3A_110 = tpu.memref_slice %arg7[%dma_wait3A_108, %dma_wait3A_109] : memref<80x64xf32, #tpu.memory_space<vmem>> -> memref<80x64xf32, #tpu.memory_space<vmem>>
      tpu.wait_dma2 semaphore(%run_scoped3A_90 : memref<!tpu.dma_semaphore, #tpu.memory_space<semaphore_mem>>) src(%dma_wait3A_110 : memref<80x64xf32, #tpu.memory_space<vmem>>) dst(%dma_wait3A_107 : memref<80x64xf32, #tpu.memory_space<vmem_shared>>)
      tpu.yield
    }) : () -> ()
    %mul3A_20 = arith.constant 640 : i32
    %mul3A_21 = arith.muli %arg1, %mul3A_20 : i32
    %add3A_22 = arith.constant 160 : i32
    %add3A_23 = arith.addi %mul3A_21, %add3A_22 : i32
    "tpu.region"() ({
      %run_scoped3A_90 = tpu.sem_alloc : memref<!tpu.dma_semaphore, #tpu.memory_space<semaphore_mem>>
      %dma_start3A_91 = arith.constant 0 : i32
      %dma_start3A_92 = arith.constant 0 : i32
      %dma_start3A_93 = tpu.memref_slice %arg7[%dma_start3A_91, %dma_start3A_92] : memref<80x64xf32, #tpu.memory_space<vmem>> -> memref<80x64xf32, #tpu.memory_space<vmem>>
      %dma_start3A_94 = arith.constant 0 : i32
      %dma_start3A_95 = tpu.memref_slice %arg10[%add3A_23, %dma_start3A_94] : memref<10240x64xf32, #tpu.memory_space<vmem_shared>> -> memref<80x64xf32, #tpu.memory_space<vmem_shared>>
      %dma_start3A_96 = arith.constant 0 : i32
      %dma_start3A_97 = tpu.memref_slice %arg10[%add3A_23, %dma_start3A_96] : memref<10240x64xf32, #tpu.memory_space<vmem_shared>> -> memref<80x64xf32, #tpu.memory_space<vmem_shared>>
      %dma_start3A_98 = arith.constant 0 : i32
      %dma_start3A_99 = arith.constant 0 : i32
      %dma_start3A_100 = tpu.memref_slice %arg7[%dma_start3A_98, %dma_start3A_99] : memref<80x64xf32, #tpu.memory_space<vmem>> -> memref<80x64xf32, #tpu.memory_space<vmem>>
      tpu.enqueue_dma source(%dma_start3A_100 : memref<80x64xf32, #tpu.memory_space<vmem>>) target(%dma_start3A_97 : memref<80x64xf32, #tpu.memory_space<vmem_shared>>) target_semaphore(%run_scoped3A_90 : memref<!tpu.dma_semaphore, #tpu.memory_space<semaphore_mem>>)
      %dma_wait3A_101 = arith.constant 0 : i32
      %dma_wait3A_102 = arith.constant 0 : i32
      %dma_wait3A_103 = tpu.memref_slice %arg7[%dma_wait3A_101, %dma_wait3A_102] : memref<80x64xf32, #tpu.memory_space<vmem>> -> memref<80x64xf32, #tpu.memory_space<vmem>>
      %dma_wait3A_104 = arith.constant 0 : i32
      %dma_wait3A_105 = tpu.memref_slice %arg10[%add3A_23, %dma_wait3A_104] : memref<10240x64xf32, #tpu.memory_space<vmem_shared>> -> memref<80x64xf32, #tpu.memory_space<vmem_shared>>
      %dma_wait3A_106 = arith.constant 0 : i32
      %dma_wait3A_107 = tpu.memref_slice %arg10[%add3A_23, %dma_wait3A_106] : memref<10240x64xf32, #tpu.memory_space<vmem_shared>> -> memref<80x64xf32, #tpu.memory_space<vmem_shared>>
      %dma_wait3A_108 = arith.constant 0 : i32
      %dma_wait3A_109 = arith.constant 0 : i32
      %dma_wait3A_110 = tpu.memref_slice %arg7[%dma_wait3A_108, %dma_wait3A_109] : memref<80x64xf32, #tpu.memory_space<vmem>> -> memref<80x64xf32, #tpu.memory_space<vmem>>
      tpu.wait_dma2 semaphore(%run_scoped3A_90 : memref<!tpu.dma_semaphore, #tpu.memory_space<semaphore_mem>>) src(%dma_wait3A_110 : memref<80x64xf32, #tpu.memory_space<vmem>>) dst(%dma_wait3A_107 : memref<80x64xf32, #tpu.memory_space<vmem_shared>>)
      tpu.yield
    }) : () -> ()
    %mul3A_24 = arith.constant 640 : i32
    %mul3A_25 = arith.muli %arg1, %mul3A_24 : i32
    %add3A_26 = arith.constant 240 : i32
    %add3A_27 = arith.addi %mul3A_25, %add3A_26 : i32
    "tpu.region"() ({
      %run_scoped3A_90 = tpu.sem_alloc : memref<!tpu.dma_semaphore, #tpu.memory_space<semaphore_mem>>
      %dma_start3A_91 = arith.constant 0 : i32
      %dma_start3A_92 = arith.constant 0 : i32
      %dma_start3A_93 = tpu.memref_slice %arg7[%dma_start3A_91, %dma_start3A_92] : memref<80x64xf32, #tpu.memory_space<vmem>> -> memref<80x64xf32, #tpu.memory_space<vmem>>
      %dma_start3A_94 = arith.constant 0 : i32
      %dma_start3A_95 = tpu.memref_slice %arg10[%add3A_27, %dma_start3A_94] : memref<10240x64xf32, #tpu.memory_space<vmem_shared>> -> memref<80x64xf32, #tpu.memory_space<vmem_shared>>
      %dma_start3A_96 = arith.constant 0 : i32
      %dma_start3A_97 = tpu.memref_slice %arg10[%add3A_27, %dma_start3A_96] : memref<10240x64xf32, #tpu.memory_space<vmem_shared>> -> memref<80x64xf32, #tpu.memory_space<vmem_shared>>
      %dma_start3A_98 = arith.constant 0 : i32
      %dma_start3A_99 = arith.constant 0 : i32
      %dma_start3A_100 = tpu.memref_slice %arg7[%dma_start3A_98, %dma_start3A_99] : memref<80x64xf32, #tpu.memory_space<vmem>> -> memref<80x64xf32, #tpu.memory_space<vmem>>
      tpu.enqueue_dma source(%dma_start3A_100 : memref<80x64xf32, #tpu.memory_space<vmem>>) target(%dma_start3A_97 : memref<80x64xf32, #tpu.memory_space<vmem_shared>>) target_semaphore(%run_scoped3A_90 : memref<!tpu.dma_semaphore, #tpu.memory_space<semaphore_mem>>)
      %dma_wait3A_101 = arith.constant 0 : i32
      %dma_wait3A_102 = arith.constant 0 : i32
      %dma_wait3A_103 = tpu.memref_slice %arg7[%dma_wait3A_101, %dma_wait3A_102] : memref<80x64xf32, #tpu.memory_space<vmem>> -> memref<80x64xf32, #tpu.memory_space<vmem>>
      %dma_wait3A_104 = arith.constant 0 : i32
      %dma_wait3A_105 = tpu.memref_slice %arg10[%add3A_27, %dma_wait3A_104] : memref<10240x64xf32, #tpu.memory_space<vmem_shared>> -> memref<80x64xf32, #tpu.memory_space<vmem_shared>>
      %dma_wait3A_106 = arith.constant 0 : i32
      %dma_wait3A_107 = tpu.memref_slice %arg10[%add3A_27, %dma_wait3A_106] : memref<10240x64xf32, #tpu.memory_space<vmem_shared>> -> memref<80x64xf32, #tpu.memory_space<vmem_shared>>
      %dma_wait3A_108 = arith.constant 0 : i32
      %dma_wait3A_109 = arith.constant 0 : i32
      %dma_wait3A_110 = tpu.memref_slice %arg7[%dma_wait3A_108, %dma_wait3A_109] : memref<80x64xf32, #tpu.memory_space<vmem>> -> memref<80x64xf32, #tpu.memory_space<vmem>>
      tpu.wait_dma2 semaphore(%run_scoped3A_90 : memref<!tpu.dma_semaphore, #tpu.memory_space<semaphore_mem>>) src(%dma_wait3A_110 : memref<80x64xf32, #tpu.memory_space<vmem>>) dst(%dma_wait3A_107 : memref<80x64xf32, #tpu.memory_space<vmem_shared>>)
      tpu.yield
    }) : () -> ()
    %mul3A_28 = arith.constant 640 : i32
    %mul3A_29 = arith.muli %arg1, %mul3A_28 : i32
    %add3A_30 = arith.constant 320 : i32
    %add3A_31 = arith.addi %mul3A_29, %add3A_30 : i32
    "tpu.region"() ({
      %run_scoped3A_90 = tpu.sem_alloc : memref<!tpu.dma_semaphore, #tpu.memory_space<semaphore_mem>>
      %dma_start3A_91 = arith.constant 0 : i32
      %dma_start3A_92 = arith.constant 0 : i32
      %dma_start3A_93 = tpu.memref_slice %arg7[%dma_start3A_91, %dma_start3A_92] : memref<80x64xf32, #tpu.memory_space<vmem>> -> memref<80x64xf32, #tpu.memory_space<vmem>>
      %dma_start3A_94 = arith.constant 0 : i32
      %dma_start3A_95 = tpu.memref_slice %arg10[%add3A_31, %dma_start3A_94] : memref<10240x64xf32, #tpu.memory_space<vmem_shared>> -> memref<80x64xf32, #tpu.memory_space<vmem_shared>>
      %dma_start3A_96 = arith.constant 0 : i32
      %dma_start3A_97 = tpu.memref_slice %arg10[%add3A_31, %dma_start3A_96] : memref<10240x64xf32, #tpu.memory_space<vmem_shared>> -> memref<80x64xf32, #tpu.memory_space<vmem_shared>>
      %dma_start3A_98 = arith.constant 0 : i32
      %dma_start3A_99 = arith.constant 0 : i32
      %dma_start3A_100 = tpu.memref_slice %arg7[%dma_start3A_98, %dma_start3A_99] : memref<80x64xf32, #tpu.memory_space<vmem>> -> memref<80x64xf32, #tpu.memory_space<vmem>>
      tpu.enqueue_dma source(%dma_start3A_100 : memref<80x64xf32, #tpu.memory_space<vmem>>) target(%dma_start3A_97 : memref<80x64xf32, #tpu.memory_space<vmem_shared>>) target_semaphore(%run_scoped3A_90 : memref<!tpu.dma_semaphore, #tpu.memory_space<semaphore_mem>>)
      %dma_wait3A_101 = arith.constant 0 : i32
      %dma_wait3A_102 = arith.constant 0 : i32
      %dma_wait3A_103 = tpu.memref_slice %arg7[%dma_wait3A_101, %dma_wait3A_102] : memref<80x64xf32, #tpu.memory_space<vmem>> -> memref<80x64xf32, #tpu.memory_space<vmem>>
      %dma_wait3A_104 = arith.constant 0 : i32
      %dma_wait3A_105 = tpu.memref_slice %arg10[%add3A_31, %dma_wait3A_104] : memref<10240x64xf32, #tpu.memory_space<vmem_shared>> -> memref<80x64xf32, #tpu.memory_space<vmem_shared>>
      %dma_wait3A_106 = arith.constant 0 : i32
      %dma_wait3A_107 = tpu.memref_slice %arg10[%add3A_31, %dma_wait3A_106] : memref<10240x64xf32, #tpu.memory_space<vmem_shared>> -> memref<80x64xf32, #tpu.memory_space<vmem_shared>>
      %dma_wait3A_108 = arith.constant 0 : i32
      %dma_wait3A_109 = arith.constant 0 : i32
      %dma_wait3A_110 = tpu.memref_slice %arg7[%dma_wait3A_108, %dma_wait3A_109] : memref<80x64xf32, #tpu.memory_space<vmem>> -> memref<80x64xf32, #tpu.memory_space<vmem>>
      tpu.wait_dma2 semaphore(%run_scoped3A_90 : memref<!tpu.dma_semaphore, #tpu.memory_space<semaphore_mem>>) src(%dma_wait3A_110 : memref<80x64xf32, #tpu.memory_space<vmem>>) dst(%dma_wait3A_107 : memref<80x64xf32, #tpu.memory_space<vmem_shared>>)
      tpu.yield
    }) : () -> ()
    %mul3A_32 = arith.constant 640 : i32
    %mul3A_33 = arith.muli %arg1, %mul3A_32 : i32
    %add3A_34 = arith.constant 400 : i32
    %add3A_35 = arith.addi %mul3A_33, %add3A_34 : i32
    "tpu.region"() ({
      %run_scoped3A_90 = tpu.sem_alloc : memref<!tpu.dma_semaphore, #tpu.memory_space<semaphore_mem>>
      %dma_start3A_91 = arith.constant 0 : i32
      %dma_start3A_92 = arith.constant 0 : i32
      %dma_start3A_93 = tpu.memref_slice %arg7[%dma_start3A_91, %dma_start3A_92] : memref<80x64xf32, #tpu.memory_space<vmem>> -> memref<80x64xf32, #tpu.memory_space<vmem>>
      %dma_start3A_94 = arith.constant 0 : i32
      %dma_start3A_95 = tpu.memref_slice %arg10[%add3A_35, %dma_start3A_94] : memref<10240x64xf32, #tpu.memory_space<vmem_shared>> -> memref<80x64xf32, #tpu.memory_space<vmem_shared>>
      %dma_start3A_96 = arith.constant 0 : i32
      %dma_start3A_97 = tpu.memref_slice %arg10[%add3A_35, %dma_start3A_96] : memref<10240x64xf32, #tpu.memory_space<vmem_shared>> -> memref<80x64xf32, #tpu.memory_space<vmem_shared>>
      %dma_start3A_98 = arith.constant 0 : i32
      %dma_start3A_99 = arith.constant 0 : i32
      %dma_start3A_100 = tpu.memref_slice %arg7[%dma_start3A_98, %dma_start3A_99] : memref<80x64xf32, #tpu.memory_space<vmem>> -> memref<80x64xf32, #tpu.memory_space<vmem>>
      tpu.enqueue_dma source(%dma_start3A_100 : memref<80x64xf32, #tpu.memory_space<vmem>>) target(%dma_start3A_97 : memref<80x64xf32, #tpu.memory_space<vmem_shared>>) target_semaphore(%run_scoped3A_90 : memref<!tpu.dma_semaphore, #tpu.memory_space<semaphore_mem>>)
      %dma_wait3A_101 = arith.constant 0 : i32
      %dma_wait3A_102 = arith.constant 0 : i32
      %dma_wait3A_103 = tpu.memref_slice %arg7[%dma_wait3A_101, %dma_wait3A_102] : memref<80x64xf32, #tpu.memory_space<vmem>> -> memref<80x64xf32, #tpu.memory_space<vmem>>
      %dma_wait3A_104 = arith.constant 0 : i32
      %dma_wait3A_105 = tpu.memref_slice %arg10[%add3A_35, %dma_wait3A_104] : memref<10240x64xf32, #tpu.memory_space<vmem_shared>> -> memref<80x64xf32, #tpu.memory_space<vmem_shared>>
      %dma_wait3A_106 = arith.constant 0 : i32
      %dma_wait3A_107 = tpu.memref_slice %arg10[%add3A_35, %dma_wait3A_106] : memref<10240x64xf32, #tpu.memory_space<vmem_shared>> -> memref<80x64xf32, #tpu.memory_space<vmem_shared>>
      %dma_wait3A_108 = arith.constant 0 : i32
      %dma_wait3A_109 = arith.constant 0 : i32
      %dma_wait3A_110 = tpu.memref_slice %arg7[%dma_wait3A_108, %dma_wait3A_109] : memref<80x64xf32, #tpu.memory_space<vmem>> -> memref<80x64xf32, #tpu.memory_space<vmem>>
      tpu.wait_dma2 semaphore(%run_scoped3A_90 : memref<!tpu.dma_semaphore, #tpu.memory_space<semaphore_mem>>) src(%dma_wait3A_110 : memref<80x64xf32, #tpu.memory_space<vmem>>) dst(%dma_wait3A_107 : memref<80x64xf32, #tpu.memory_space<vmem_shared>>)
      tpu.yield
    }) : () -> ()
    %mul3A_36 = arith.constant 640 : i32
    %mul3A_37 = arith.muli %arg1, %mul3A_36 : i32
    %add3A_38 = arith.constant 480 : i32
    %add3A_39 = arith.addi %mul3A_37, %add3A_38 : i32
    "tpu.region"() ({
      %run_scoped3A_90 = tpu.sem_alloc : memref<!tpu.dma_semaphore, #tpu.memory_space<semaphore_mem>>
      %dma_start3A_91 = arith.constant 0 : i32
      %dma_start3A_92 = arith.constant 0 : i32
      %dma_start3A_93 = tpu.memref_slice %arg7[%dma_start3A_91, %dma_start3A_92] : memref<80x64xf32, #tpu.memory_space<vmem>> -> memref<80x64xf32, #tpu.memory_space<vmem>>
      %dma_start3A_94 = arith.constant 0 : i32
      %dma_start3A_95 = tpu.memref_slice %arg10[%add3A_39, %dma_start3A_94] : memref<10240x64xf32, #tpu.memory_space<vmem_shared>> -> memref<80x64xf32, #tpu.memory_space<vmem_shared>>
      %dma_start3A_96 = arith.constant 0 : i32
      %dma_start3A_97 = tpu.memref_slice %arg10[%add3A_39, %dma_start3A_96] : memref<10240x64xf32, #tpu.memory_space<vmem_shared>> -> memref<80x64xf32, #tpu.memory_space<vmem_shared>>
      %dma_start3A_98 = arith.constant 0 : i32
      %dma_start3A_99 = arith.constant 0 : i32
      %dma_start3A_100 = tpu.memref_slice %arg7[%dma_start3A_98, %dma_start3A_99] : memref<80x64xf32, #tpu.memory_space<vmem>> -> memref<80x64xf32, #tpu.memory_space<vmem>>
      tpu.enqueue_dma source(%dma_start3A_100 : memref<80x64xf32, #tpu.memory_space<vmem>>) target(%dma_start3A_97 : memref<80x64xf32, #tpu.memory_space<vmem_shared>>) target_semaphore(%run_scoped3A_90 : memref<!tpu.dma_semaphore, #tpu.memory_space<semaphore_mem>>)
      %dma_wait3A_101 = arith.constant 0 : i32
      %dma_wait3A_102 = arith.constant 0 : i32
      %dma_wait3A_103 = tpu.memref_slice %arg7[%dma_wait3A_101, %dma_wait3A_102] : memref<80x64xf32, #tpu.memory_space<vmem>> -> memref<80x64xf32, #tpu.memory_space<vmem>>
      %dma_wait3A_104 = arith.constant 0 : i32
      %dma_wait3A_105 = tpu.memref_slice %arg10[%add3A_39, %dma_wait3A_104] : memref<10240x64xf32, #tpu.memory_space<vmem_shared>> -> memref<80x64xf32, #tpu.memory_space<vmem_shared>>
      %dma_wait3A_106 = arith.constant 0 : i32
      %dma_wait3A_107 = tpu.memref_slice %arg10[%add3A_39, %dma_wait3A_106] : memref<10240x64xf32, #tpu.memory_space<vmem_shared>> -> memref<80x64xf32, #tpu.memory_space<vmem_shared>>
      %dma_wait3A_108 = arith.constant 0 : i32
      %dma_wait3A_109 = arith.constant 0 : i32
      %dma_wait3A_110 = tpu.memref_slice %arg7[%dma_wait3A_108, %dma_wait3A_109] : memref<80x64xf32, #tpu.memory_space<vmem>> -> memref<80x64xf32, #tpu.memory_space<vmem>>
      tpu.wait_dma2 semaphore(%run_scoped3A_90 : memref<!tpu.dma_semaphore, #tpu.memory_space<semaphore_mem>>) src(%dma_wait3A_110 : memref<80x64xf32, #tpu.memory_space<vmem>>) dst(%dma_wait3A_107 : memref<80x64xf32, #tpu.memory_space<vmem_shared>>)
      tpu.yield
    }) : () -> ()
    %mul3A_40 = arith.constant 640 : i32
    %mul3A_41 = arith.muli %arg1, %mul3A_40 : i32
    %add3A_42 = arith.constant 560 : i32
    %add3A_43 = arith.addi %mul3A_41, %add3A_42 : i32
    "tpu.region"() ({
      %run_scoped3A_90 = tpu.sem_alloc : memref<!tpu.dma_semaphore, #tpu.memory_space<semaphore_mem>>
      %dma_start3A_91 = arith.constant 0 : i32
      %dma_start3A_92 = arith.constant 0 : i32
      %dma_start3A_93 = tpu.memref_slice %arg7[%dma_start3A_91, %dma_start3A_92] : memref<80x64xf32, #tpu.memory_space<vmem>> -> memref<80x64xf32, #tpu.memory_space<vmem>>
      %dma_start3A_94 = arith.constant 0 : i32
      %dma_start3A_95 = tpu.memref_slice %arg10[%add3A_43, %dma_start3A_94] : memref<10240x64xf32, #tpu.memory_space<vmem_shared>> -> memref<80x64xf32, #tpu.memory_space<vmem_shared>>
      %dma_start3A_96 = arith.constant 0 : i32
      %dma_start3A_97 = tpu.memref_slice %arg10[%add3A_43, %dma_start3A_96] : memref<10240x64xf32, #tpu.memory_space<vmem_shared>> -> memref<80x64xf32, #tpu.memory_space<vmem_shared>>
      %dma_start3A_98 = arith.constant 0 : i32
      %dma_start3A_99 = arith.constant 0 : i32
      %dma_start3A_100 = tpu.memref_slice %arg7[%dma_start3A_98, %dma_start3A_99] : memref<80x64xf32, #tpu.memory_space<vmem>> -> memref<80x64xf32, #tpu.memory_space<vmem>>
      tpu.enqueue_dma source(%dma_start3A_100 : memref<80x64xf32, #tpu.memory_space<vmem>>) target(%dma_start3A_97 : memref<80x64xf32, #tpu.memory_space<vmem_shared>>) target_semaphore(%run_scoped3A_90 : memref<!tpu.dma_semaphore, #tpu.memory_space<semaphore_mem>>)
      %dma_wait3A_101 = arith.constant 0 : i32
      %dma_wait3A_102 = arith.constant 0 : i32
      %dma_wait3A_103 = tpu.memref_slice %arg7[%dma_wait3A_101, %dma_wait3A_102] : memref<80x64xf32, #tpu.memory_space<vmem>> -> memref<80x64xf32, #tpu.memory_space<vmem>>
      %dma_wait3A_104 = arith.constant 0 : i32
      %dma_wait3A_105 = tpu.memref_slice %arg10[%add3A_43, %dma_wait3A_104] : memref<10240x64xf32, #tpu.memory_space<vmem_shared>> -> memref<80x64xf32, #tpu.memory_space<vmem_shared>>
      %dma_wait3A_106 = arith.constant 0 : i32
      %dma_wait3A_107 = tpu.memref_slice %arg10[%add3A_43, %dma_wait3A_106] : memref<10240x64xf32, #tpu.memory_space<vmem_shared>> -> memref<80x64xf32, #tpu.memory_space<vmem_shared>>
      %dma_wait3A_108 = arith.constant 0 : i32
      %dma_wait3A_109 = arith.constant 0 : i32
      %dma_wait3A_110 = tpu.memref_slice %arg7[%dma_wait3A_108, %dma_wait3A_109] : memref<80x64xf32, #tpu.memory_space<vmem>> -> memref<80x64xf32, #tpu.memory_space<vmem>>
      tpu.wait_dma2 semaphore(%run_scoped3A_90 : memref<!tpu.dma_semaphore, #tpu.memory_space<semaphore_mem>>) src(%dma_wait3A_110 : memref<80x64xf32, #tpu.memory_space<vmem>>) dst(%dma_wait3A_107 : memref<80x64xf32, #tpu.memory_space<vmem_shared>>)
      tpu.yield
    }) : () -> ()
    %barrier3A = arith.constant 0 : index
    tpu.barrier barrier_id(%barrier3A)
    %dma_start3A = arith.constant 0 : i32
    %dma_start3A_44 = tpu.memref_slice %arg5[%dma_start3A] : memref<10000xi32, #tpu.memory_space<vmem>> -> memref<80xi32, #tpu.memory_space<vmem>>
    %dma_start3A_45 = arith.constant 0 : i32
    %dma_start3A_46 = arith.constant 0 : i32
    %dma_start3A_47 = tpu.memref_slice %arg9[%dma_start3A_45, %dma_start3A_46] : memref<10240x64xf32, #tpu.memory_space<vmem_shared>> -> memref<10240x64xf32, #tpu.memory_space<vmem_shared>>
    tpu.enqueue_indirect_dma source(%dma_start3A_47 : memref<10240x64xf32, #tpu.memory_space<vmem_shared>>) target(%arg7 : memref<80x64xf32, #tpu.memory_space<vmem>>) offsets(%dma_start3A_44 : memref<80xi32, #tpu.memory_space<vmem>>) semaphore(%arg11 : memref<!tpu.dma_semaphore, #tpu.memory_space<semaphore_mem>>)
    %scan3A_48 = arith.constant 0 : i32
    %scan3A_49 = arith.constant 62 : i32
    %scan3A_50 = arith.addi %scan3A_48, %scan3A_49 : i32
    %scan3A_51 = arith.constant 1 : i32
    scf.for %scan3A_90 = %scan3A_48 to %scan3A_50 step %scan3A_51  : i32 {
      %mul3A_91 = arith.constant 2 : i32
      %mul3A_92 = arith.muli %mul3A_91, %scan3A_90 : i32
      %add3A_93 = arith.constant 1 : i32
      %add3A_94 = arith.addi %mul3A_92, %add3A_93 : i32
      %mul3A_95 = arith.constant 80 : i32
      %mul3A_96 = arith.muli %add3A_94, %mul3A_95 : i32
      %dma_start3A_97 = tpu.memref_slice %arg5[%mul3A_96] : memref<10000xi32, #tpu.memory_space<vmem>> -> memref<80xi32, #tpu.memory_space<vmem>>
      %dma_start3A_98 = arith.constant 0 : i32
      %dma_start3A_99 = arith.constant 0 : i32
      %dma_start3A_100 = tpu.memref_slice %arg9[%dma_start3A_98, %dma_start3A_99] : memref<10240x64xf32, #tpu.memory_space<vmem_shared>> -> memref<10240x64xf32, #tpu.memory_space<vmem_shared>>
      tpu.enqueue_indirect_dma source(%dma_start3A_100 : memref<10240x64xf32, #tpu.memory_space<vmem_shared>>) target(%arg8 : memref<80x64xf32, #tpu.memory_space<vmem>>) offsets(%dma_start3A_97 : memref<80xi32, #tpu.memory_space<vmem>>) semaphore(%arg12 : memref<!tpu.dma_semaphore, #tpu.memory_space<semaphore_mem>>)
      %mul3A_101 = arith.constant 80 : i32
      %mul3A_102 = arith.muli %mul3A_92, %mul3A_101 : i32
      %dma_wait3A_103 = tpu.memref_slice %arg5[%mul3A_102] : memref<10000xi32, #tpu.memory_space<vmem>> -> memref<80xi32, #tpu.memory_space<vmem>>
      %dma_wait3A_104 = arith.constant 0 : i32
      %dma_wait3A_105 = arith.constant 0 : i32
      %dma_wait3A_106 = tpu.memref_slice %arg9[%dma_wait3A_104, %dma_wait3A_105] : memref<10240x64xf32, #tpu.memory_space<vmem_shared>> -> memref<10240x64xf32, #tpu.memory_space<vmem_shared>>
      tpu.wait_indirect_dma semaphore(%arg11 : memref<!tpu.dma_semaphore, #tpu.memory_space<semaphore_mem>>) src(%dma_wait3A_106 : memref<10240x64xf32, #tpu.memory_space<vmem_shared>>) dst(%arg7 : memref<80x64xf32, #tpu.memory_space<vmem>>)
      %mul3A_107 = arith.constant 80 : i32
      %mul3A_108 = arith.muli %mul3A_92, %mul3A_107 : i32
      "tpu.region"() ({
        %run_scoped3A_129 = tpu.sem_alloc : memref<!tpu.dma_semaphore, #tpu.memory_space<semaphore_mem>>
        %dma_start3A_130 = tpu.memref_slice %arg6[%mul3A_108] : memref<10000xi32, #tpu.memory_space<vmem>> -> memref<80xi32, #tpu.memory_space<vmem>>
        %dma_start3A_131 = arith.constant 0 : i32
        %dma_start3A_132 = arith.constant 0 : i32
        %dma_start3A_133 = tpu.memref_slice %arg10[%dma_start3A_131, %dma_start3A_132] : memref<10240x64xf32, #tpu.memory_space<vmem_shared>> -> memref<10240x64xf32, #tpu.memory_space<vmem_shared>>
        tpu.enqueue_indirect_dma source(%arg7 : memref<80x64xf32, #tpu.memory_space<vmem>>) target(%dma_start3A_133 : memref<10240x64xf32, #tpu.memory_space<vmem_shared>>) offsets(%dma_start3A_130 : memref<80xi32, #tpu.memory_space<vmem>>) semaphore(%run_scoped3A_129 : memref<!tpu.dma_semaphore, #tpu.memory_space<semaphore_mem>>) {add = true}
        %dma_wait3A_134 = tpu.memref_slice %arg6[%mul3A_108] : memref<10000xi32, #tpu.memory_space<vmem>> -> memref<80xi32, #tpu.memory_space<vmem>>
        %dma_wait3A_135 = arith.constant 0 : i32
        %dma_wait3A_136 = arith.constant 0 : i32
        %dma_wait3A_137 = tpu.memref_slice %arg10[%dma_wait3A_135, %dma_wait3A_136] : memref<10240x64xf32, #tpu.memory_space<vmem_shared>> -> memref<10240x64xf32, #tpu.memory_space<vmem_shared>>
        tpu.wait_indirect_dma semaphore(%run_scoped3A_129 : memref<!tpu.dma_semaphore, #tpu.memory_space<semaphore_mem>>) src(%arg7 : memref<80x64xf32, #tpu.memory_space<vmem>>) dst(%dma_wait3A_137 : memref<10240x64xf32, #tpu.memory_space<vmem_shared>>)
        tpu.yield
      }) : () -> ()
      %add3A_109 = arith.constant 2 : i32
      %add3A_110 = arith.addi %mul3A_92, %add3A_109 : i32
      %mul3A_111 = arith.constant 80 : i32
      %mul3A_112 = arith.muli %add3A_110, %mul3A_111 : i32
      %dma_start3A_113 = tpu.memref_slice %arg5[%mul3A_112] : memref<10000xi32, #tpu.memory_space<vmem>> -> memref<80xi32, #tpu.memory_space<vmem>>
      %dma_start3A_114 = arith.constant 0 : i32
      %dma_start3A_115 = arith.constant 0 : i32
      %dma_start3A_116 = tpu.memref_slice %arg9[%dma_start3A_114, %dma_start3A_115] : memref<10240x64xf32, #tpu.memory_space<vmem_shared>> -> memref<10240x64xf32, #tpu.memory_space<vmem_shared>>
      tpu.enqueue_indirect_dma source(%dma_start3A_116 : memref<10240x64xf32, #tpu.memory_space<vmem_shared>>) target(%arg7 : memref<80x64xf32, #tpu.memory_space<vmem>>) offsets(%dma_start3A_113 : memref<80xi32, #tpu.memory_space<vmem>>) semaphore(%arg11 : memref<!tpu.dma_semaphore, #tpu.memory_space<semaphore_mem>>)
      %add3A_117 = arith.constant 1 : i32
      %add3A_118 = arith.addi %mul3A_92, %add3A_117 : i32
      %mul3A_119 = arith.constant 80 : i32
      %mul3A_120 = arith.muli %add3A_118, %mul3A_119 : i32
      %dma_wait3A_121 = tpu.memref_slice %arg5[%mul3A_120] : memref<10000xi32, #tpu.memory_space<vmem>> -> memref<80xi32, #tpu.memory_space<vmem>>
      %dma_wait3A_122 = arith.constant 0 : i32
      %dma_wait3A_123 = arith.constant 0 : i32
      %dma_wait3A_124 = tpu.memref_slice %arg9[%dma_wait3A_122, %dma_wait3A_123] : memref<10240x64xf32, #tpu.memory_space<vmem_shared>> -> memref<10240x64xf32, #tpu.memory_space<vmem_shared>>
      tpu.wait_indirect_dma semaphore(%arg12 : memref<!tpu.dma_semaphore, #tpu.memory_space<semaphore_mem>>) src(%dma_wait3A_124 : memref<10240x64xf32, #tpu.memory_space<vmem_shared>>) dst(%arg8 : memref<80x64xf32, #tpu.memory_space<vmem>>)
      %add3A_125 = arith.constant 1 : i32
      %add3A_126 = arith.addi %mul3A_92, %add3A_125 : i32
      %mul3A_127 = arith.constant 80 : i32
      %mul3A_128 = arith.muli %add3A_126, %mul3A_127 : i32
      "tpu.region"() ({
        %run_scoped3A_129 = tpu.sem_alloc : memref<!tpu.dma_semaphore, #tpu.memory_space<semaphore_mem>>
        %dma_start3A_130 = tpu.memref_slice %arg6[%mul3A_128] : memref<10000xi32, #tpu.memory_space<vmem>> -> memref<80xi32, #tpu.memory_space<vmem>>
        %dma_start3A_131 = arith.constant 0 : i32
        %dma_start3A_132 = arith.constant 0 : i32
        %dma_start3A_133 = tpu.memref_slice %arg10[%dma_start3A_131, %dma_start3A_132] : memref<10240x64xf32, #tpu.memory_space<vmem_shared>> -> memref<10240x64xf32, #tpu.memory_space<vmem_shared>>
        tpu.enqueue_indirect_dma source(%arg8 : memref<80x64xf32, #tpu.memory_space<vmem>>) target(%dma_start3A_133 : memref<10240x64xf32, #tpu.memory_space<vmem_shared>>) offsets(%dma_start3A_130 : memref<80xi32, #tpu.memory_space<vmem>>) semaphore(%run_scoped3A_129 : memref<!tpu.dma_semaphore, #tpu.memory_space<semaphore_mem>>) {add = true}
        %dma_wait3A_134 = tpu.memref_slice %arg6[%mul3A_128] : memref<10000xi32, #tpu.memory_space<vmem>> -> memref<80xi32, #tpu.memory_space<vmem>>
        %dma_wait3A_135 = arith.constant 0 : i32
        %dma_wait3A_136 = arith.constant 0 : i32
        %dma_wait3A_137 = tpu.memref_slice %arg10[%dma_wait3A_135, %dma_wait3A_136] : memref<10240x64xf32, #tpu.memory_space<vmem_shared>> -> memref<10240x64xf32, #tpu.memory_space<vmem_shared>>
        tpu.wait_indirect_dma semaphore(%run_scoped3A_129 : memref<!tpu.dma_semaphore, #tpu.memory_space<semaphore_mem>>) src(%arg8 : memref<80x64xf32, #tpu.memory_space<vmem>>) dst(%dma_wait3A_137 : memref<10240x64xf32, #tpu.memory_space<vmem_shared>>)
        tpu.yield
      }) : () -> ()
    }
    %scan3A_52 = arith.constant 62 : i32
    %dma_wait3A = arith.constant 9920 : i32
    %dma_wait3A_53 = tpu.memref_slice %arg5[%dma_wait3A] : memref<10000xi32, #tpu.memory_space<vmem>> -> memref<80xi32, #tpu.memory_space<vmem>>
    %dma_wait3A_54 = arith.constant 0 : i32
    %dma_wait3A_55 = arith.constant 0 : i32
    %dma_wait3A_56 = tpu.memref_slice %arg9[%dma_wait3A_54, %dma_wait3A_55] : memref<10240x64xf32, #tpu.memory_space<vmem_shared>> -> memref<10240x64xf32, #tpu.memory_space<vmem_shared>>
    tpu.wait_indirect_dma semaphore(%arg11 : memref<!tpu.dma_semaphore, #tpu.memory_space<semaphore_mem>>) src(%dma_wait3A_56 : memref<10240x64xf32, #tpu.memory_space<vmem_shared>>) dst(%arg7 : memref<80x64xf32, #tpu.memory_space<vmem>>)
    "tpu.region"() ({
      %run_scoped3A_90 = tpu.sem_alloc : memref<!tpu.dma_semaphore, #tpu.memory_space<semaphore_mem>>
      %dma_start3A_91 = arith.constant 9920 : i32
      %dma_start3A_92 = tpu.memref_slice %arg6[%dma_start3A_91] : memref<10000xi32, #tpu.memory_space<vmem>> -> memref<80xi32, #tpu.memory_space<vmem>>
      %dma_start3A_93 = arith.constant 0 : i32
      %dma_start3A_94 = arith.constant 0 : i32
      %dma_start3A_95 = tpu.memref_slice %arg10[%dma_start3A_93, %dma_start3A_94] : memref<10240x64xf32, #tpu.memory_space<vmem_shared>> -> memref<10240x64xf32, #tpu.memory_space<vmem_shared>>
      tpu.enqueue_indirect_dma source(%arg7 : memref<80x64xf32, #tpu.memory_space<vmem>>) target(%dma_start3A_95 : memref<10240x64xf32, #tpu.memory_space<vmem_shared>>) offsets(%dma_start3A_92 : memref<80xi32, #tpu.memory_space<vmem>>) semaphore(%run_scoped3A_90 : memref<!tpu.dma_semaphore, #tpu.memory_space<semaphore_mem>>) {add = true}
      %dma_wait3A_96 = arith.constant 9920 : i32
      %dma_wait3A_97 = tpu.memref_slice %arg6[%dma_wait3A_96] : memref<10000xi32, #tpu.memory_space<vmem>> -> memref<80xi32, #tpu.memory_space<vmem>>
      %dma_wait3A_98 = arith.constant 0 : i32
      %dma_wait3A_99 = arith.constant 0 : i32
      %dma_wait3A_100 = tpu.memref_slice %arg10[%dma_wait3A_98, %dma_wait3A_99] : memref<10240x64xf32, #tpu.memory_space<vmem_shared>> -> memref<10240x64xf32, #tpu.memory_space<vmem_shared>>
      tpu.wait_indirect_dma semaphore(%run_scoped3A_90 : memref<!tpu.dma_semaphore, #tpu.memory_space<semaphore_mem>>) src(%arg7 : memref<80x64xf32, #tpu.memory_space<vmem>>) dst(%dma_wait3A_100 : memref<10240x64xf32, #tpu.memory_space<vmem_shared>>)
      tpu.yield
    }) : () -> ()
    %barrier3A_57 = arith.constant 0 : index
    tpu.barrier barrier_id(%barrier3A_57)
    %mul3A_58 = arith.constant 640 : i32
    %mul3A_59 = arith.muli %arg1, %mul3A_58 : i32
    %add3A_60 = arith.constant 0 : i32
    %add3A_61 = arith.addi %mul3A_59, %add3A_60 : i32
    "tpu.region"() ({
      %run_scoped3A_90 = tpu.sem_alloc : memref<!tpu.dma_semaphore, #tpu.memory_space<semaphore_mem>>
      %dma_start3A_91 = arith.constant 0 : i32
      %dma_start3A_92 = arith.constant 0 : i32
      %dma_start3A_93 = tpu.memref_slice %arg7[%dma_start3A_91, %dma_start3A_92] : memref<80x64xf32, #tpu.memory_space<vmem>> -> memref<80x64xf32, #tpu.memory_space<vmem>>
      %dma_start3A_94 = arith.constant 0 : i32
      %dma_start3A_95 = tpu.memref_slice %arg10[%add3A_61, %dma_start3A_94] : memref<10240x64xf32, #tpu.memory_space<vmem_shared>> -> memref<80x64xf32, #tpu.memory_space<vmem_shared>>
      %dma_start3A_96 = arith.constant 0 : i32
      %dma_start3A_97 = arith.constant 0 : i32
      %dma_start3A_98 = tpu.memref_slice %arg7[%dma_start3A_96, %dma_start3A_97] : memref<80x64xf32, #tpu.memory_space<vmem>> -> memref<80x64xf32, #tpu.memory_space<vmem>>
      %dma_start3A_99 = arith.constant 0 : i32
      %dma_start3A_100 = tpu.memref_slice %arg10[%add3A_61, %dma_start3A_99] : memref<10240x64xf32, #tpu.memory_space<vmem_shared>> -> memref<80x64xf32, #tpu.memory_space<vmem_shared>>
      tpu.enqueue_dma source(%dma_start3A_100 : memref<80x64xf32, #tpu.memory_space<vmem_shared>>) target(%dma_start3A_98 : memref<80x64xf32, #tpu.memory_space<vmem>>) target_semaphore(%run_scoped3A_90 : memref<!tpu.dma_semaphore, #tpu.memory_space<semaphore_mem>>)
      %dma_wait3A_101 = arith.constant 0 : i32
      %dma_wait3A_102 = arith.constant 0 : i32
      %dma_wait3A_103 = tpu.memref_slice %arg7[%dma_wait3A_101, %dma_wait3A_102] : memref<80x64xf32, #tpu.memory_space<vmem>> -> memref<80x64xf32, #tpu.memory_space<vmem>>
      %dma_wait3A_104 = arith.constant 0 : i32
      %dma_wait3A_105 = tpu.memref_slice %arg10[%add3A_61, %dma_wait3A_104] : memref<10240x64xf32, #tpu.memory_space<vmem_shared>> -> memref<80x64xf32, #tpu.memory_space<vmem_shared>>
      %dma_wait3A_106 = arith.constant 0 : i32
      %dma_wait3A_107 = arith.constant 0 : i32
      %dma_wait3A_108 = tpu.memref_slice %arg7[%dma_wait3A_106, %dma_wait3A_107] : memref<80x64xf32, #tpu.memory_space<vmem>> -> memref<80x64xf32, #tpu.memory_space<vmem>>
      %dma_wait3A_109 = arith.constant 0 : i32
      %dma_wait3A_110 = tpu.memref_slice %arg10[%add3A_61, %dma_wait3A_109] : memref<10240x64xf32, #tpu.memory_space<vmem_shared>> -> memref<80x64xf32, #tpu.memory_space<vmem_shared>>
      tpu.wait_dma2 semaphore(%run_scoped3A_90 : memref<!tpu.dma_semaphore, #tpu.memory_space<semaphore_mem>>) src(%dma_wait3A_110 : memref<80x64xf32, #tpu.memory_space<vmem_shared>>) dst(%dma_wait3A_108 : memref<80x64xf32, #tpu.memory_space<vmem>>)
      tpu.yield
    }) : () -> ()
    "tpu.region"() ({
      %run_scoped3A_90 = tpu.sem_alloc : memref<!tpu.dma_semaphore, #tpu.memory_space<semaphore_mem>>
      %dma_start3A_91 = arith.constant 0 : i32
      %dma_start3A_92 = arith.constant 0 : i32
      %dma_start3A_93 = tpu.memref_slice %arg7[%dma_start3A_91, %dma_start3A_92] : memref<80x64xf32, #tpu.memory_space<vmem>> -> memref<80x64xf32, #tpu.memory_space<vmem>>
      %dma_start3A_94 = arith.constant 0 : i32
      %dma_start3A_95 = tpu.memref_slice %arg4[%arg0, %add3A_61, %dma_start3A_94] : memref<2x10240x128xf32, #tpu.memory_space<hbm>> -> memref<1x80x64xf32, #tpu.memory_space<hbm>>
      %dma_start3A_96 = tpu.memref_squeeze %dma_start3A_95 : memref<1x80x64xf32, #tpu.memory_space<hbm>> -> memref<80x64xf32, #tpu.memory_space<hbm>>
      %dma_start3A_97 = arith.constant 0 : i32
      %dma_start3A_98 = tpu.memref_slice %arg4[%arg0, %add3A_61, %dma_start3A_97] : memref<2x10240x128xf32, #tpu.memory_space<hbm>> -> memref<1x80x64xf32, #tpu.memory_space<hbm>>
      %dma_start3A_99 = tpu.memref_squeeze %dma_start3A_98 : memref<1x80x64xf32, #tpu.memory_space<hbm>> -> memref<80x64xf32, #tpu.memory_space<hbm>>
      %dma_start3A_100 = arith.constant 0 : i32
      %dma_start3A_101 = arith.constant 0 : i32
      %dma_start3A_102 = tpu.memref_slice %arg7[%dma_start3A_100, %dma_start3A_101] : memref<80x64xf32, #tpu.memory_space<vmem>> -> memref<80x64xf32, #tpu.memory_space<vmem>>
      tpu.enqueue_dma source(%dma_start3A_102 : memref<80x64xf32, #tpu.memory_space<vmem>>) target(%dma_start3A_99 : memref<80x64xf32, #tpu.memory_space<hbm>>) target_semaphore(%run_scoped3A_90 : memref<!tpu.dma_semaphore, #tpu.memory_space<semaphore_mem>>)
      %dma_wait3A_103 = arith.constant 0 : i32
      %dma_wait3A_104 = arith.constant 0 : i32
      %dma_wait3A_105 = tpu.memref_slice %arg7[%dma_wait3A_103, %dma_wait3A_104] : memref<80x64xf32, #tpu.memory_space<vmem>> -> memref<80x64xf32, #tpu.memory_space<vmem>>
      %dma_wait3A_106 = arith.constant 0 : i32
      %dma_wait3A_107 = tpu.memref_slice %arg4[%arg0, %add3A_61, %dma_wait3A_106] : memref<2x10240x128xf32, #tpu.memory_space<hbm>> -> memref<1x80x64xf32, #tpu.memory_space<hbm>>
      %dma_wait3A_108 = tpu.memref_squeeze %dma_wait3A_107 : memref<1x80x64xf32, #tpu.memory_space<hbm>> -> memref<80x64xf32, #tpu.memory_space<hbm>>
      %dma_wait3A_109 = arith.constant 0 : i32
      %dma_wait3A_110 = tpu.memref_slice %arg4[%arg0, %add3A_61, %dma_wait3A_109] : memref<2x10240x128xf32, #tpu.memory_space<hbm>> -> memref<1x80x64xf32, #tpu.memory_space<hbm>>
      %dma_wait3A_111 = tpu.memref_squeeze %dma_wait3A_110 : memref<1x80x64xf32, #tpu.memory_space<hbm>> -> memref<80x64xf32, #tpu.memory_space<hbm>>
      %dma_wait3A_112 = arith.constant 0 : i32
      %dma_wait3A_113 = arith.constant 0 : i32
      %dma_wait3A_114 = tpu.memref_slice %arg7[%dma_wait3A_112, %dma_wait3A_113] : memref<80x64xf32, #tpu.memory_space<vmem>> -> memref<80x64xf32, #tpu.memory_space<vmem>>
      tpu.wait_dma2 semaphore(%run_scoped3A_90 : memref<!tpu.dma_semaphore, #tpu.memory_space<semaphore_mem>>) src(%dma_wait3A_114 : memref<80x64xf32, #tpu.memory_space<vmem>>) dst(%dma_wait3A_111 : memref<80x64xf32, #tpu.memory_space<hbm>>)
      tpu.yield
    }) : () -> ()
    %mul3A_62 = arith.constant 640 : i32
    %mul3A_63 = arith.muli %arg1, %mul3A_62 : i32
    %add3A_64 = arith.constant 80 : i32
    %add3A_65 = arith.addi %mul3A_63, %add3A_64 : i32
    "tpu.region"() ({
      %run_scoped3A_90 = tpu.sem_alloc : memref<!tpu.dma_semaphore, #tpu.memory_space<semaphore_mem>>
      %dma_start3A_91 = arith.constant 0 : i32
      %dma_start3A_92 = arith.constant 0 : i32
      %dma_start3A_93 = tpu.memref_slice %arg7[%dma_start3A_91, %dma_start3A_92] : memref<80x64xf32, #tpu.memory_space<vmem>> -> memref<80x64xf32, #tpu.memory_space<vmem>>
      %dma_start3A_94 = arith.constant 0 : i32
      %dma_start3A_95 = tpu.memref_slice %arg10[%add3A_65, %dma_start3A_94] : memref<10240x64xf32, #tpu.memory_space<vmem_shared>> -> memref<80x64xf32, #tpu.memory_space<vmem_shared>>
      %dma_start3A_96 = arith.constant 0 : i32
      %dma_start3A_97 = arith.constant 0 : i32
      %dma_start3A_98 = tpu.memref_slice %arg7[%dma_start3A_96, %dma_start3A_97] : memref<80x64xf32, #tpu.memory_space<vmem>> -> memref<80x64xf32, #tpu.memory_space<vmem>>
      %dma_start3A_99 = arith.constant 0 : i32
      %dma_start3A_100 = tpu.memref_slice %arg10[%add3A_65, %dma_start3A_99] : memref<10240x64xf32, #tpu.memory_space<vmem_shared>> -> memref<80x64xf32, #tpu.memory_space<vmem_shared>>
      tpu.enqueue_dma source(%dma_start3A_100 : memref<80x64xf32, #tpu.memory_space<vmem_shared>>) target(%dma_start3A_98 : memref<80x64xf32, #tpu.memory_space<vmem>>) target_semaphore(%run_scoped3A_90 : memref<!tpu.dma_semaphore, #tpu.memory_space<semaphore_mem>>)
      %dma_wait3A_101 = arith.constant 0 : i32
      %dma_wait3A_102 = arith.constant 0 : i32
      %dma_wait3A_103 = tpu.memref_slice %arg7[%dma_wait3A_101, %dma_wait3A_102] : memref<80x64xf32, #tpu.memory_space<vmem>> -> memref<80x64xf32, #tpu.memory_space<vmem>>
      %dma_wait3A_104 = arith.constant 0 : i32
      %dma_wait3A_105 = tpu.memref_slice %arg10[%add3A_65, %dma_wait3A_104] : memref<10240x64xf32, #tpu.memory_space<vmem_shared>> -> memref<80x64xf32, #tpu.memory_space<vmem_shared>>
      %dma_wait3A_106 = arith.constant 0 : i32
      %dma_wait3A_107 = arith.constant 0 : i32
      %dma_wait3A_108 = tpu.memref_slice %arg7[%dma_wait3A_106, %dma_wait3A_107] : memref<80x64xf32, #tpu.memory_space<vmem>> -> memref<80x64xf32, #tpu.memory_space<vmem>>
      %dma_wait3A_109 = arith.constant 0 : i32
      %dma_wait3A_110 = tpu.memref_slice %arg10[%add3A_65, %dma_wait3A_109] : memref<10240x64xf32, #tpu.memory_space<vmem_shared>> -> memref<80x64xf32, #tpu.memory_space<vmem_shared>>
      tpu.wait_dma2 semaphore(%run_scoped3A_90 : memref<!tpu.dma_semaphore, #tpu.memory_space<semaphore_mem>>) src(%dma_wait3A_110 : memref<80x64xf32, #tpu.memory_space<vmem_shared>>) dst(%dma_wait3A_108 : memref<80x64xf32, #tpu.memory_space<vmem>>)
      tpu.yield
    }) : () -> ()
    "tpu.region"() ({
      %run_scoped3A_90 = tpu.sem_alloc : memref<!tpu.dma_semaphore, #tpu.memory_space<semaphore_mem>>
      %dma_start3A_91 = arith.constant 0 : i32
      %dma_start3A_92 = arith.constant 0 : i32
      %dma_start3A_93 = tpu.memref_slice %arg7[%dma_start3A_91, %dma_start3A_92] : memref<80x64xf32, #tpu.memory_space<vmem>> -> memref<80x64xf32, #tpu.memory_space<vmem>>
      %dma_start3A_94 = arith.constant 0 : i32
      %dma_start3A_95 = tpu.memref_slice %arg4[%arg0, %add3A_65, %dma_start3A_94] : memref<2x10240x128xf32, #tpu.memory_space<hbm>> -> memref<1x80x64xf32, #tpu.memory_space<hbm>>
      %dma_start3A_96 = tpu.memref_squeeze %dma_start3A_95 : memref<1x80x64xf32, #tpu.memory_space<hbm>> -> memref<80x64xf32, #tpu.memory_space<hbm>>
      %dma_start3A_97 = arith.constant 0 : i32
      %dma_start3A_98 = tpu.memref_slice %arg4[%arg0, %add3A_65, %dma_start3A_97] : memref<2x10240x128xf32, #tpu.memory_space<hbm>> -> memref<1x80x64xf32, #tpu.memory_space<hbm>>
      %dma_start3A_99 = tpu.memref_squeeze %dma_start3A_98 : memref<1x80x64xf32, #tpu.memory_space<hbm>> -> memref<80x64xf32, #tpu.memory_space<hbm>>
      %dma_start3A_100 = arith.constant 0 : i32
      %dma_start3A_101 = arith.constant 0 : i32
      %dma_start3A_102 = tpu.memref_slice %arg7[%dma_start3A_100, %dma_start3A_101] : memref<80x64xf32, #tpu.memory_space<vmem>> -> memref<80x64xf32, #tpu.memory_space<vmem>>
      tpu.enqueue_dma source(%dma_start3A_102 : memref<80x64xf32, #tpu.memory_space<vmem>>) target(%dma_start3A_99 : memref<80x64xf32, #tpu.memory_space<hbm>>) target_semaphore(%run_scoped3A_90 : memref<!tpu.dma_semaphore, #tpu.memory_space<semaphore_mem>>)
      %dma_wait3A_103 = arith.constant 0 : i32
      %dma_wait3A_104 = arith.constant 0 : i32
      %dma_wait3A_105 = tpu.memref_slice %arg7[%dma_wait3A_103, %dma_wait3A_104] : memref<80x64xf32, #tpu.memory_space<vmem>> -> memref<80x64xf32, #tpu.memory_space<vmem>>
      %dma_wait3A_106 = arith.constant 0 : i32
      %dma_wait3A_107 = tpu.memref_slice %arg4[%arg0, %add3A_65, %dma_wait3A_106] : memref<2x10240x128xf32, #tpu.memory_space<hbm>> -> memref<1x80x64xf32, #tpu.memory_space<hbm>>
      %dma_wait3A_108 = tpu.memref_squeeze %dma_wait3A_107 : memref<1x80x64xf32, #tpu.memory_space<hbm>> -> memref<80x64xf32, #tpu.memory_space<hbm>>
      %dma_wait3A_109 = arith.constant 0 : i32
      %dma_wait3A_110 = tpu.memref_slice %arg4[%arg0, %add3A_65, %dma_wait3A_109] : memref<2x10240x128xf32, #tpu.memory_space<hbm>> -> memref<1x80x64xf32, #tpu.memory_space<hbm>>
      %dma_wait3A_111 = tpu.memref_squeeze %dma_wait3A_110 : memref<1x80x64xf32, #tpu.memory_space<hbm>> -> memref<80x64xf32, #tpu.memory_space<hbm>>
      %dma_wait3A_112 = arith.constant 0 : i32
      %dma_wait3A_113 = arith.constant 0 : i32
      %dma_wait3A_114 = tpu.memref_slice %arg7[%dma_wait3A_112, %dma_wait3A_113] : memref<80x64xf32, #tpu.memory_space<vmem>> -> memref<80x64xf32, #tpu.memory_space<vmem>>
      tpu.wait_dma2 semaphore(%run_scoped3A_90 : memref<!tpu.dma_semaphore, #tpu.memory_space<semaphore_mem>>) src(%dma_wait3A_114 : memref<80x64xf32, #tpu.memory_space<vmem>>) dst(%dma_wait3A_111 : memref<80x64xf32, #tpu.memory_space<hbm>>)
      tpu.yield
    }) : () -> ()
    %mul3A_66 = arith.constant 640 : i32
    %mul3A_67 = arith.muli %arg1, %mul3A_66 : i32
    %add3A_68 = arith.constant 160 : i32
    %add3A_69 = arith.addi %mul3A_67, %add3A_68 : i32
    "tpu.region"() ({
      %run_scoped3A_90 = tpu.sem_alloc : memref<!tpu.dma_semaphore, #tpu.memory_space<semaphore_mem>>
      %dma_start3A_91 = arith.constant 0 : i32
      %dma_start3A_92 = arith.constant 0 : i32
      %dma_start3A_93 = tpu.memref_slice %arg7[%dma_start3A_91, %dma_start3A_92] : memref<80x64xf32, #tpu.memory_space<vmem>> -> memref<80x64xf32, #tpu.memory_space<vmem>>
      %dma_start3A_94 = arith.constant 0 : i32
      %dma_start3A_95 = tpu.memref_slice %arg10[%add3A_69, %dma_start3A_94] : memref<10240x64xf32, #tpu.memory_space<vmem_shared>> -> memref<80x64xf32, #tpu.memory_space<vmem_shared>>
      %dma_start3A_96 = arith.constant 0 : i32
      %dma_start3A_97 = arith.constant 0 : i32
      %dma_start3A_98 = tpu.memref_slice %arg7[%dma_start3A_96, %dma_start3A_97] : memref<80x64xf32, #tpu.memory_space<vmem>> -> memref<80x64xf32, #tpu.memory_space<vmem>>
      %dma_start3A_99 = arith.constant 0 : i32
      %dma_start3A_100 = tpu.memref_slice %arg10[%add3A_69, %dma_start3A_99] : memref<10240x64xf32, #tpu.memory_space<vmem_shared>> -> memref<80x64xf32, #tpu.memory_space<vmem_shared>>
      tpu.enqueue_dma source(%dma_start3A_100 : memref<80x64xf32, #tpu.memory_space<vmem_shared>>) target(%dma_start3A_98 : memref<80x64xf32, #tpu.memory_space<vmem>>) target_semaphore(%run_scoped3A_90 : memref<!tpu.dma_semaphore, #tpu.memory_space<semaphore_mem>>)
      %dma_wait3A_101 = arith.constant 0 : i32
      %dma_wait3A_102 = arith.constant 0 : i32
      %dma_wait3A_103 = tpu.memref_slice %arg7[%dma_wait3A_101, %dma_wait3A_102] : memref<80x64xf32, #tpu.memory_space<vmem>> -> memref<80x64xf32, #tpu.memory_space<vmem>>
      %dma_wait3A_104 = arith.constant 0 : i32
      %dma_wait3A_105 = tpu.memref_slice %arg10[%add3A_69, %dma_wait3A_104] : memref<10240x64xf32, #tpu.memory_space<vmem_shared>> -> memref<80x64xf32, #tpu.memory_space<vmem_shared>>
      %dma_wait3A_106 = arith.constant 0 : i32
      %dma_wait3A_107 = arith.constant 0 : i32
      %dma_wait3A_108 = tpu.memref_slice %arg7[%dma_wait3A_106, %dma_wait3A_107] : memref<80x64xf32, #tpu.memory_space<vmem>> -> memref<80x64xf32, #tpu.memory_space<vmem>>
      %dma_wait3A_109 = arith.constant 0 : i32
      %dma_wait3A_110 = tpu.memref_slice %arg10[%add3A_69, %dma_wait3A_109] : memref<10240x64xf32, #tpu.memory_space<vmem_shared>> -> memref<80x64xf32, #tpu.memory_space<vmem_shared>>
      tpu.wait_dma2 semaphore(%run_scoped3A_90 : memref<!tpu.dma_semaphore, #tpu.memory_space<semaphore_mem>>) src(%dma_wait3A_110 : memref<80x64xf32, #tpu.memory_space<vmem_shared>>) dst(%dma_wait3A_108 : memref<80x64xf32, #tpu.memory_space<vmem>>)
      tpu.yield
    }) : () -> ()
    "tpu.region"() ({
      %run_scoped3A_90 = tpu.sem_alloc : memref<!tpu.dma_semaphore, #tpu.memory_space<semaphore_mem>>
      %dma_start3A_91 = arith.constant 0 : i32
      %dma_start3A_92 = arith.constant 0 : i32
      %dma_start3A_93 = tpu.memref_slice %arg7[%dma_start3A_91, %dma_start3A_92] : memref<80x64xf32, #tpu.memory_space<vmem>> -> memref<80x64xf32, #tpu.memory_space<vmem>>
      %dma_start3A_94 = arith.constant 0 : i32
      %dma_start3A_95 = tpu.memref_slice %arg4[%arg0, %add3A_69, %dma_start3A_94] : memref<2x10240x128xf32, #tpu.memory_space<hbm>> -> memref<1x80x64xf32, #tpu.memory_space<hbm>>
      %dma_start3A_96 = tpu.memref_squeeze %dma_start3A_95 : memref<1x80x64xf32, #tpu.memory_space<hbm>> -> memref<80x64xf32, #tpu.memory_space<hbm>>
      %dma_start3A_97 = arith.constant 0 : i32
      %dma_start3A_98 = tpu.memref_slice %arg4[%arg0, %add3A_69, %dma_start3A_97] : memref<2x10240x128xf32, #tpu.memory_space<hbm>> -> memref<1x80x64xf32, #tpu.memory_space<hbm>>
      %dma_start3A_99 = tpu.memref_squeeze %dma_start3A_98 : memref<1x80x64xf32, #tpu.memory_space<hbm>> -> memref<80x64xf32, #tpu.memory_space<hbm>>
      %dma_start3A_100 = arith.constant 0 : i32
      %dma_start3A_101 = arith.constant 0 : i32
      %dma_start3A_102 = tpu.memref_slice %arg7[%dma_start3A_100, %dma_start3A_101] : memref<80x64xf32, #tpu.memory_space<vmem>> -> memref<80x64xf32, #tpu.memory_space<vmem>>
      tpu.enqueue_dma source(%dma_start3A_102 : memref<80x64xf32, #tpu.memory_space<vmem>>) target(%dma_start3A_99 : memref<80x64xf32, #tpu.memory_space<hbm>>) target_semaphore(%run_scoped3A_90 : memref<!tpu.dma_semaphore, #tpu.memory_space<semaphore_mem>>)
      %dma_wait3A_103 = arith.constant 0 : i32
      %dma_wait3A_104 = arith.constant 0 : i32
      %dma_wait3A_105 = tpu.memref_slice %arg7[%dma_wait3A_103, %dma_wait3A_104] : memref<80x64xf32, #tpu.memory_space<vmem>> -> memref<80x64xf32, #tpu.memory_space<vmem>>
      %dma_wait3A_106 = arith.constant 0 : i32
      %dma_wait3A_107 = tpu.memref_slice %arg4[%arg0, %add3A_69, %dma_wait3A_106] : memref<2x10240x128xf32, #tpu.memory_space<hbm>> -> memref<1x80x64xf32, #tpu.memory_space<hbm>>
      %dma_wait3A_108 = tpu.memref_squeeze %dma_wait3A_107 : memref<1x80x64xf32, #tpu.memory_space<hbm>> -> memref<80x64xf32, #tpu.memory_space<hbm>>
      %dma_wait3A_109 = arith.constant 0 : i32
      %dma_wait3A_110 = tpu.memref_slice %arg4[%arg0, %add3A_69, %dma_wait3A_109] : memref<2x10240x128xf32, #tpu.memory_space<hbm>> -> memref<1x80x64xf32, #tpu.memory_space<hbm>>
      %dma_wait3A_111 = tpu.memref_squeeze %dma_wait3A_110 : memref<1x80x64xf32, #tpu.memory_space<hbm>> -> memref<80x64xf32, #tpu.memory_space<hbm>>
      %dma_wait3A_112 = arith.constant 0 : i32
      %dma_wait3A_113 = arith.constant 0 : i32
      %dma_wait3A_114 = tpu.memref_slice %arg7[%dma_wait3A_112, %dma_wait3A_113] : memref<80x64xf32, #tpu.memory_space<vmem>> -> memref<80x64xf32, #tpu.memory_space<vmem>>
      tpu.wait_dma2 semaphore(%run_scoped3A_90 : memref<!tpu.dma_semaphore, #tpu.memory_space<semaphore_mem>>) src(%dma_wait3A_114 : memref<80x64xf32, #tpu.memory_space<vmem>>) dst(%dma_wait3A_111 : memref<80x64xf32, #tpu.memory_space<hbm>>)
      tpu.yield
    }) : () -> ()
    %mul3A_70 = arith.constant 640 : i32
    %mul3A_71 = arith.muli %arg1, %mul3A_70 : i32
    %add3A_72 = arith.constant 240 : i32
    %add3A_73 = arith.addi %mul3A_71, %add3A_72 : i32
    "tpu.region"() ({
      %run_scoped3A_90 = tpu.sem_alloc : memref<!tpu.dma_semaphore, #tpu.memory_space<semaphore_mem>>
      %dma_start3A_91 = arith.constant 0 : i32
      %dma_start3A_92 = arith.constant 0 : i32
      %dma_start3A_93 = tpu.memref_slice %arg7[%dma_start3A_91, %dma_start3A_92] : memref<80x64xf32, #tpu.memory_space<vmem>> -> memref<80x64xf32, #tpu.memory_space<vmem>>
      %dma_start3A_94 = arith.constant 0 : i32
      %dma_start3A_95 = tpu.memref_slice %arg10[%add3A_73, %dma_start3A_94] : memref<10240x64xf32, #tpu.memory_space<vmem_shared>> -> memref<80x64xf32, #tpu.memory_space<vmem_shared>>
      %dma_start3A_96 = arith.constant 0 : i32
      %dma_start3A_97 = arith.constant 0 : i32
      %dma_start3A_98 = tpu.memref_slice %arg7[%dma_start3A_96, %dma_start3A_97] : memref<80x64xf32, #tpu.memory_space<vmem>> -> memref<80x64xf32, #tpu.memory_space<vmem>>
      %dma_start3A_99 = arith.constant 0 : i32
      %dma_start3A_100 = tpu.memref_slice %arg10[%add3A_73, %dma_start3A_99] : memref<10240x64xf32, #tpu.memory_space<vmem_shared>> -> memref<80x64xf32, #tpu.memory_space<vmem_shared>>
      tpu.enqueue_dma source(%dma_start3A_100 : memref<80x64xf32, #tpu.memory_space<vmem_shared>>) target(%dma_start3A_98 : memref<80x64xf32, #tpu.memory_space<vmem>>) target_semaphore(%run_scoped3A_90 : memref<!tpu.dma_semaphore, #tpu.memory_space<semaphore_mem>>)
      %dma_wait3A_101 = arith.constant 0 : i32
      %dma_wait3A_102 = arith.constant 0 : i32
      %dma_wait3A_103 = tpu.memref_slice %arg7[%dma_wait3A_101, %dma_wait3A_102] : memref<80x64xf32, #tpu.memory_space<vmem>> -> memref<80x64xf32, #tpu.memory_space<vmem>>
      %dma_wait3A_104 = arith.constant 0 : i32
      %dma_wait3A_105 = tpu.memref_slice %arg10[%add3A_73, %dma_wait3A_104] : memref<10240x64xf32, #tpu.memory_space<vmem_shared>> -> memref<80x64xf32, #tpu.memory_space<vmem_shared>>
      %dma_wait3A_106 = arith.constant 0 : i32
      %dma_wait3A_107 = arith.constant 0 : i32
      %dma_wait3A_108 = tpu.memref_slice %arg7[%dma_wait3A_106, %dma_wait3A_107] : memref<80x64xf32, #tpu.memory_space<vmem>> -> memref<80x64xf32, #tpu.memory_space<vmem>>
      %dma_wait3A_109 = arith.constant 0 : i32
      %dma_wait3A_110 = tpu.memref_slice %arg10[%add3A_73, %dma_wait3A_109] : memref<10240x64xf32, #tpu.memory_space<vmem_shared>> -> memref<80x64xf32, #tpu.memory_space<vmem_shared>>
      tpu.wait_dma2 semaphore(%run_scoped3A_90 : memref<!tpu.dma_semaphore, #tpu.memory_space<semaphore_mem>>) src(%dma_wait3A_110 : memref<80x64xf32, #tpu.memory_space<vmem_shared>>) dst(%dma_wait3A_108 : memref<80x64xf32, #tpu.memory_space<vmem>>)
      tpu.yield
    }) : () -> ()
    "tpu.region"() ({
      %run_scoped3A_90 = tpu.sem_alloc : memref<!tpu.dma_semaphore, #tpu.memory_space<semaphore_mem>>
      %dma_start3A_91 = arith.constant 0 : i32
      %dma_start3A_92 = arith.constant 0 : i32
      %dma_start3A_93 = tpu.memref_slice %arg7[%dma_start3A_91, %dma_start3A_92] : memref<80x64xf32, #tpu.memory_space<vmem>> -> memref<80x64xf32, #tpu.memory_space<vmem>>
      %dma_start3A_94 = arith.constant 0 : i32
      %dma_start3A_95 = tpu.memref_slice %arg4[%arg0, %add3A_73, %dma_start3A_94] : memref<2x10240x128xf32, #tpu.memory_space<hbm>> -> memref<1x80x64xf32, #tpu.memory_space<hbm>>
      %dma_start3A_96 = tpu.memref_squeeze %dma_start3A_95 : memref<1x80x64xf32, #tpu.memory_space<hbm>> -> memref<80x64xf32, #tpu.memory_space<hbm>>
      %dma_start3A_97 = arith.constant 0 : i32
      %dma_start3A_98 = tpu.memref_slice %arg4[%arg0, %add3A_73, %dma_start3A_97] : memref<2x10240x128xf32, #tpu.memory_space<hbm>> -> memref<1x80x64xf32, #tpu.memory_space<hbm>>
      %dma_start3A_99 = tpu.memref_squeeze %dma_start3A_98 : memref<1x80x64xf32, #tpu.memory_space<hbm>> -> memref<80x64xf32, #tpu.memory_space<hbm>>
      %dma_start3A_100 = arith.constant 0 : i32
      %dma_start3A_101 = arith.constant 0 : i32
      %dma_start3A_102 = tpu.memref_slice %arg7[%dma_start3A_100, %dma_start3A_101] : memref<80x64xf32, #tpu.memory_space<vmem>> -> memref<80x64xf32, #tpu.memory_space<vmem>>
      tpu.enqueue_dma source(%dma_start3A_102 : memref<80x64xf32, #tpu.memory_space<vmem>>) target(%dma_start3A_99 : memref<80x64xf32, #tpu.memory_space<hbm>>) target_semaphore(%run_scoped3A_90 : memref<!tpu.dma_semaphore, #tpu.memory_space<semaphore_mem>>)
      %dma_wait3A_103 = arith.constant 0 : i32
      %dma_wait3A_104 = arith.constant 0 : i32
      %dma_wait3A_105 = tpu.memref_slice %arg7[%dma_wait3A_103, %dma_wait3A_104] : memref<80x64xf32, #tpu.memory_space<vmem>> -> memref<80x64xf32, #tpu.memory_space<vmem>>
      %dma_wait3A_106 = arith.constant 0 : i32
      %dma_wait3A_107 = tpu.memref_slice %arg4[%arg0, %add3A_73, %dma_wait3A_106] : memref<2x10240x128xf32, #tpu.memory_space<hbm>> -> memref<1x80x64xf32, #tpu.memory_space<hbm>>
      %dma_wait3A_108 = tpu.memref_squeeze %dma_wait3A_107 : memref<1x80x64xf32, #tpu.memory_space<hbm>> -> memref<80x64xf32, #tpu.memory_space<hbm>>
      %dma_wait3A_109 = arith.constant 0 : i32
      %dma_wait3A_110 = tpu.memref_slice %arg4[%arg0, %add3A_73, %dma_wait3A_109] : memref<2x10240x128xf32, #tpu.memory_space<hbm>> -> memref<1x80x64xf32, #tpu.memory_space<hbm>>
      %dma_wait3A_111 = tpu.memref_squeeze %dma_wait3A_110 : memref<1x80x64xf32, #tpu.memory_space<hbm>> -> memref<80x64xf32, #tpu.memory_space<hbm>>
      %dma_wait3A_112 = arith.constant 0 : i32
      %dma_wait3A_113 = arith.constant 0 : i32
      %dma_wait3A_114 = tpu.memref_slice %arg7[%dma_wait3A_112, %dma_wait3A_113] : memref<80x64xf32, #tpu.memory_space<vmem>> -> memref<80x64xf32, #tpu.memory_space<vmem>>
      tpu.wait_dma2 semaphore(%run_scoped3A_90 : memref<!tpu.dma_semaphore, #tpu.memory_space<semaphore_mem>>) src(%dma_wait3A_114 : memref<80x64xf32, #tpu.memory_space<vmem>>) dst(%dma_wait3A_111 : memref<80x64xf32, #tpu.memory_space<hbm>>)
      tpu.yield
    }) : () -> ()
    %mul3A_74 = arith.constant 640 : i32
    %mul3A_75 = arith.muli %arg1, %mul3A_74 : i32
    %add3A_76 = arith.constant 320 : i32
    %add3A_77 = arith.addi %mul3A_75, %add3A_76 : i32
    "tpu.region"() ({
      %run_scoped3A_90 = tpu.sem_alloc : memref<!tpu.dma_semaphore, #tpu.memory_space<semaphore_mem>>
      %dma_start3A_91 = arith.constant 0 : i32
      %dma_start3A_92 = arith.constant 0 : i32
      %dma_start3A_93 = tpu.memref_slice %arg7[%dma_start3A_91, %dma_start3A_92] : memref<80x64xf32, #tpu.memory_space<vmem>> -> memref<80x64xf32, #tpu.memory_space<vmem>>
      %dma_start3A_94 = arith.constant 0 : i32
      %dma_start3A_95 = tpu.memref_slice %arg10[%add3A_77, %dma_start3A_94] : memref<10240x64xf32, #tpu.memory_space<vmem_shared>> -> memref<80x64xf32, #tpu.memory_space<vmem_shared>>
      %dma_start3A_96 = arith.constant 0 : i32
      %dma_start3A_97 = arith.constant 0 : i32
      %dma_start3A_98 = tpu.memref_slice %arg7[%dma_start3A_96, %dma_start3A_97] : memref<80x64xf32, #tpu.memory_space<vmem>> -> memref<80x64xf32, #tpu.memory_space<vmem>>
      %dma_start3A_99 = arith.constant 0 : i32
      %dma_start3A_100 = tpu.memref_slice %arg10[%add3A_77, %dma_start3A_99] : memref<10240x64xf32, #tpu.memory_space<vmem_shared>> -> memref<80x64xf32, #tpu.memory_space<vmem_shared>>
      tpu.enqueue_dma source(%dma_start3A_100 : memref<80x64xf32, #tpu.memory_space<vmem_shared>>) target(%dma_start3A_98 : memref<80x64xf32, #tpu.memory_space<vmem>>) target_semaphore(%run_scoped3A_90 : memref<!tpu.dma_semaphore, #tpu.memory_space<semaphore_mem>>)
      %dma_wait3A_101 = arith.constant 0 : i32
      %dma_wait3A_102 = arith.constant 0 : i32
      %dma_wait3A_103 = tpu.memref_slice %arg7[%dma_wait3A_101, %dma_wait3A_102] : memref<80x64xf32, #tpu.memory_space<vmem>> -> memref<80x64xf32, #tpu.memory_space<vmem>>
      %dma_wait3A_104 = arith.constant 0 : i32
      %dma_wait3A_105 = tpu.memref_slice %arg10[%add3A_77, %dma_wait3A_104] : memref<10240x64xf32, #tpu.memory_space<vmem_shared>> -> memref<80x64xf32, #tpu.memory_space<vmem_shared>>
      %dma_wait3A_106 = arith.constant 0 : i32
      %dma_wait3A_107 = arith.constant 0 : i32
      %dma_wait3A_108 = tpu.memref_slice %arg7[%dma_wait3A_106, %dma_wait3A_107] : memref<80x64xf32, #tpu.memory_space<vmem>> -> memref<80x64xf32, #tpu.memory_space<vmem>>
      %dma_wait3A_109 = arith.constant 0 : i32
      %dma_wait3A_110 = tpu.memref_slice %arg10[%add3A_77, %dma_wait3A_109] : memref<10240x64xf32, #tpu.memory_space<vmem_shared>> -> memref<80x64xf32, #tpu.memory_space<vmem_shared>>
      tpu.wait_dma2 semaphore(%run_scoped3A_90 : memref<!tpu.dma_semaphore, #tpu.memory_space<semaphore_mem>>) src(%dma_wait3A_110 : memref<80x64xf32, #tpu.memory_space<vmem_shared>>) dst(%dma_wait3A_108 : memref<80x64xf32, #tpu.memory_space<vmem>>)
      tpu.yield
    }) : () -> ()
    "tpu.region"() ({
      %run_scoped3A_90 = tpu.sem_alloc : memref<!tpu.dma_semaphore, #tpu.memory_space<semaphore_mem>>
      %dma_start3A_91 = arith.constant 0 : i32
      %dma_start3A_92 = arith.constant 0 : i32
      %dma_start3A_93 = tpu.memref_slice %arg7[%dma_start3A_91, %dma_start3A_92] : memref<80x64xf32, #tpu.memory_space<vmem>> -> memref<80x64xf32, #tpu.memory_space<vmem>>
      %dma_start3A_94 = arith.constant 0 : i32
      %dma_start3A_95 = tpu.memref_slice %arg4[%arg0, %add3A_77, %dma_start3A_94] : memref<2x10240x128xf32, #tpu.memory_space<hbm>> -> memref<1x80x64xf32, #tpu.memory_space<hbm>>
      %dma_start3A_96 = tpu.memref_squeeze %dma_start3A_95 : memref<1x80x64xf32, #tpu.memory_space<hbm>> -> memref<80x64xf32, #tpu.memory_space<hbm>>
      %dma_start3A_97 = arith.constant 0 : i32
      %dma_start3A_98 = tpu.memref_slice %arg4[%arg0, %add3A_77, %dma_start3A_97] : memref<2x10240x128xf32, #tpu.memory_space<hbm>> -> memref<1x80x64xf32, #tpu.memory_space<hbm>>
      %dma_start3A_99 = tpu.memref_squeeze %dma_start3A_98 : memref<1x80x64xf32, #tpu.memory_space<hbm>> -> memref<80x64xf32, #tpu.memory_space<hbm>>
      %dma_start3A_100 = arith.constant 0 : i32
      %dma_start3A_101 = arith.constant 0 : i32
      %dma_start3A_102 = tpu.memref_slice %arg7[%dma_start3A_100, %dma_start3A_101] : memref<80x64xf32, #tpu.memory_space<vmem>> -> memref<80x64xf32, #tpu.memory_space<vmem>>
      tpu.enqueue_dma source(%dma_start3A_102 : memref<80x64xf32, #tpu.memory_space<vmem>>) target(%dma_start3A_99 : memref<80x64xf32, #tpu.memory_space<hbm>>) target_semaphore(%run_scoped3A_90 : memref<!tpu.dma_semaphore, #tpu.memory_space<semaphore_mem>>)
      %dma_wait3A_103 = arith.constant 0 : i32
      %dma_wait3A_104 = arith.constant 0 : i32
      %dma_wait3A_105 = tpu.memref_slice %arg7[%dma_wait3A_103, %dma_wait3A_104] : memref<80x64xf32, #tpu.memory_space<vmem>> -> memref<80x64xf32, #tpu.memory_space<vmem>>
      %dma_wait3A_106 = arith.constant 0 : i32
      %dma_wait3A_107 = tpu.memref_slice %arg4[%arg0, %add3A_77, %dma_wait3A_106] : memref<2x10240x128xf32, #tpu.memory_space<hbm>> -> memref<1x80x64xf32, #tpu.memory_space<hbm>>
      %dma_wait3A_108 = tpu.memref_squeeze %dma_wait3A_107 : memref<1x80x64xf32, #tpu.memory_space<hbm>> -> memref<80x64xf32, #tpu.memory_space<hbm>>
      %dma_wait3A_109 = arith.constant 0 : i32
      %dma_wait3A_110 = tpu.memref_slice %arg4[%arg0, %add3A_77, %dma_wait3A_109] : memref<2x10240x128xf32, #tpu.memory_space<hbm>> -> memref<1x80x64xf32, #tpu.memory_space<hbm>>
      %dma_wait3A_111 = tpu.memref_squeeze %dma_wait3A_110 : memref<1x80x64xf32, #tpu.memory_space<hbm>> -> memref<80x64xf32, #tpu.memory_space<hbm>>
      %dma_wait3A_112 = arith.constant 0 : i32
      %dma_wait3A_113 = arith.constant 0 : i32
      %dma_wait3A_114 = tpu.memref_slice %arg7[%dma_wait3A_112, %dma_wait3A_113] : memref<80x64xf32, #tpu.memory_space<vmem>> -> memref<80x64xf32, #tpu.memory_space<vmem>>
      tpu.wait_dma2 semaphore(%run_scoped3A_90 : memref<!tpu.dma_semaphore, #tpu.memory_space<semaphore_mem>>) src(%dma_wait3A_114 : memref<80x64xf32, #tpu.memory_space<vmem>>) dst(%dma_wait3A_111 : memref<80x64xf32, #tpu.memory_space<hbm>>)
      tpu.yield
    }) : () -> ()
    %mul3A_78 = arith.constant 640 : i32
    %mul3A_79 = arith.muli %arg1, %mul3A_78 : i32
    %add3A_80 = arith.constant 400 : i32
    %add3A_81 = arith.addi %mul3A_79, %add3A_80 : i32
    "tpu.region"() ({
      %run_scoped3A_90 = tpu.sem_alloc : memref<!tpu.dma_semaphore, #tpu.memory_space<semaphore_mem>>
      %dma_start3A_91 = arith.constant 0 : i32
      %dma_start3A_92 = arith.constant 0 : i32
      %dma_start3A_93 = tpu.memref_slice %arg7[%dma_start3A_91, %dma_start3A_92] : memref<80x64xf32, #tpu.memory_space<vmem>> -> memref<80x64xf32, #tpu.memory_space<vmem>>
      %dma_start3A_94 = arith.constant 0 : i32
      %dma_start3A_95 = tpu.memref_slice %arg10[%add3A_81, %dma_start3A_94] : memref<10240x64xf32, #tpu.memory_space<vmem_shared>> -> memref<80x64xf32, #tpu.memory_space<vmem_shared>>
      %dma_start3A_96 = arith.constant 0 : i32
      %dma_start3A_97 = arith.constant 0 : i32
      %dma_start3A_98 = tpu.memref_slice %arg7[%dma_start3A_96, %dma_start3A_97] : memref<80x64xf32, #tpu.memory_space<vmem>> -> memref<80x64xf32, #tpu.memory_space<vmem>>
      %dma_start3A_99 = arith.constant 0 : i32
      %dma_start3A_100 = tpu.memref_slice %arg10[%add3A_81, %dma_start3A_99] : memref<10240x64xf32, #tpu.memory_space<vmem_shared>> -> memref<80x64xf32, #tpu.memory_space<vmem_shared>>
      tpu.enqueue_dma source(%dma_start3A_100 : memref<80x64xf32, #tpu.memory_space<vmem_shared>>) target(%dma_start3A_98 : memref<80x64xf32, #tpu.memory_space<vmem>>) target_semaphore(%run_scoped3A_90 : memref<!tpu.dma_semaphore, #tpu.memory_space<semaphore_mem>>)
      %dma_wait3A_101 = arith.constant 0 : i32
      %dma_wait3A_102 = arith.constant 0 : i32
      %dma_wait3A_103 = tpu.memref_slice %arg7[%dma_wait3A_101, %dma_wait3A_102] : memref<80x64xf32, #tpu.memory_space<vmem>> -> memref<80x64xf32, #tpu.memory_space<vmem>>
      %dma_wait3A_104 = arith.constant 0 : i32
      %dma_wait3A_105 = tpu.memref_slice %arg10[%add3A_81, %dma_wait3A_104] : memref<10240x64xf32, #tpu.memory_space<vmem_shared>> -> memref<80x64xf32, #tpu.memory_space<vmem_shared>>
      %dma_wait3A_106 = arith.constant 0 : i32
      %dma_wait3A_107 = arith.constant 0 : i32
      %dma_wait3A_108 = tpu.memref_slice %arg7[%dma_wait3A_106, %dma_wait3A_107] : memref<80x64xf32, #tpu.memory_space<vmem>> -> memref<80x64xf32, #tpu.memory_space<vmem>>
      %dma_wait3A_109 = arith.constant 0 : i32
      %dma_wait3A_110 = tpu.memref_slice %arg10[%add3A_81, %dma_wait3A_109] : memref<10240x64xf32, #tpu.memory_space<vmem_shared>> -> memref<80x64xf32, #tpu.memory_space<vmem_shared>>
      tpu.wait_dma2 semaphore(%run_scoped3A_90 : memref<!tpu.dma_semaphore, #tpu.memory_space<semaphore_mem>>) src(%dma_wait3A_110 : memref<80x64xf32, #tpu.memory_space<vmem_shared>>) dst(%dma_wait3A_108 : memref<80x64xf32, #tpu.memory_space<vmem>>)
      tpu.yield
    }) : () -> ()
    "tpu.region"() ({
      %run_scoped3A_90 = tpu.sem_alloc : memref<!tpu.dma_semaphore, #tpu.memory_space<semaphore_mem>>
      %dma_start3A_91 = arith.constant 0 : i32
      %dma_start3A_92 = arith.constant 0 : i32
      %dma_start3A_93 = tpu.memref_slice %arg7[%dma_start3A_91, %dma_start3A_92] : memref<80x64xf32, #tpu.memory_space<vmem>> -> memref<80x64xf32, #tpu.memory_space<vmem>>
      %dma_start3A_94 = arith.constant 0 : i32
      %dma_start3A_95 = tpu.memref_slice %arg4[%arg0, %add3A_81, %dma_start3A_94] : memref<2x10240x128xf32, #tpu.memory_space<hbm>> -> memref<1x80x64xf32, #tpu.memory_space<hbm>>
      %dma_start3A_96 = tpu.memref_squeeze %dma_start3A_95 : memref<1x80x64xf32, #tpu.memory_space<hbm>> -> memref<80x64xf32, #tpu.memory_space<hbm>>
      %dma_start3A_97 = arith.constant 0 : i32
      %dma_start3A_98 = tpu.memref_slice %arg4[%arg0, %add3A_81, %dma_start3A_97] : memref<2x10240x128xf32, #tpu.memory_space<hbm>> -> memref<1x80x64xf32, #tpu.memory_space<hbm>>
      %dma_start3A_99 = tpu.memref_squeeze %dma_start3A_98 : memref<1x80x64xf32, #tpu.memory_space<hbm>> -> memref<80x64xf32, #tpu.memory_space<hbm>>
      %dma_start3A_100 = arith.constant 0 : i32
      %dma_start3A_101 = arith.constant 0 : i32
      %dma_start3A_102 = tpu.memref_slice %arg7[%dma_start3A_100, %dma_start3A_101] : memref<80x64xf32, #tpu.memory_space<vmem>> -> memref<80x64xf32, #tpu.memory_space<vmem>>
      tpu.enqueue_dma source(%dma_start3A_102 : memref<80x64xf32, #tpu.memory_space<vmem>>) target(%dma_start3A_99 : memref<80x64xf32, #tpu.memory_space<hbm>>) target_semaphore(%run_scoped3A_90 : memref<!tpu.dma_semaphore, #tpu.memory_space<semaphore_mem>>)
      %dma_wait3A_103 = arith.constant 0 : i32
      %dma_wait3A_104 = arith.constant 0 : i32
      %dma_wait3A_105 = tpu.memref_slice %arg7[%dma_wait3A_103, %dma_wait3A_104] : memref<80x64xf32, #tpu.memory_space<vmem>> -> memref<80x64xf32, #tpu.memory_space<vmem>>
      %dma_wait3A_106 = arith.constant 0 : i32
      %dma_wait3A_107 = tpu.memref_slice %arg4[%arg0, %add3A_81, %dma_wait3A_106] : memref<2x10240x128xf32, #tpu.memory_space<hbm>> -> memref<1x80x64xf32, #tpu.memory_space<hbm>>
      %dma_wait3A_108 = tpu.memref_squeeze %dma_wait3A_107 : memref<1x80x64xf32, #tpu.memory_space<hbm>> -> memref<80x64xf32, #tpu.memory_space<hbm>>
      %dma_wait3A_109 = arith.constant 0 : i32
      %dma_wait3A_110 = tpu.memref_slice %arg4[%arg0, %add3A_81, %dma_wait3A_109] : memref<2x10240x128xf32, #tpu.memory_space<hbm>> -> memref<1x80x64xf32, #tpu.memory_space<hbm>>
      %dma_wait3A_111 = tpu.memref_squeeze %dma_wait3A_110 : memref<1x80x64xf32, #tpu.memory_space<hbm>> -> memref<80x64xf32, #tpu.memory_space<hbm>>
      %dma_wait3A_112 = arith.constant 0 : i32
      %dma_wait3A_113 = arith.constant 0 : i32
      %dma_wait3A_114 = tpu.memref_slice %arg7[%dma_wait3A_112, %dma_wait3A_113] : memref<80x64xf32, #tpu.memory_space<vmem>> -> memref<80x64xf32, #tpu.memory_space<vmem>>
      tpu.wait_dma2 semaphore(%run_scoped3A_90 : memref<!tpu.dma_semaphore, #tpu.memory_space<semaphore_mem>>) src(%dma_wait3A_114 : memref<80x64xf32, #tpu.memory_space<vmem>>) dst(%dma_wait3A_111 : memref<80x64xf32, #tpu.memory_space<hbm>>)
      tpu.yield
    }) : () -> ()
    %mul3A_82 = arith.constant 640 : i32
    %mul3A_83 = arith.muli %arg1, %mul3A_82 : i32
    %add3A_84 = arith.constant 480 : i32
    %add3A_85 = arith.addi %mul3A_83, %add3A_84 : i32
    "tpu.region"() ({
      %run_scoped3A_90 = tpu.sem_alloc : memref<!tpu.dma_semaphore, #tpu.memory_space<semaphore_mem>>
      %dma_start3A_91 = arith.constant 0 : i32
      %dma_start3A_92 = arith.constant 0 : i32
      %dma_start3A_93 = tpu.memref_slice %arg7[%dma_start3A_91, %dma_start3A_92] : memref<80x64xf32, #tpu.memory_space<vmem>> -> memref<80x64xf32, #tpu.memory_space<vmem>>
      %dma_start3A_94 = arith.constant 0 : i32
      %dma_start3A_95 = tpu.memref_slice %arg10[%add3A_85, %dma_start3A_94] : memref<10240x64xf32, #tpu.memory_space<vmem_shared>> -> memref<80x64xf32, #tpu.memory_space<vmem_shared>>
      %dma_start3A_96 = arith.constant 0 : i32
      %dma_start3A_97 = arith.constant 0 : i32
      %dma_start3A_98 = tpu.memref_slice %arg7[%dma_start3A_96, %dma_start3A_97] : memref<80x64xf32, #tpu.memory_space<vmem>> -> memref<80x64xf32, #tpu.memory_space<vmem>>
      %dma_start3A_99 = arith.constant 0 : i32
      %dma_start3A_100 = tpu.memref_slice %arg10[%add3A_85, %dma_start3A_99] : memref<10240x64xf32, #tpu.memory_space<vmem_shared>> -> memref<80x64xf32, #tpu.memory_space<vmem_shared>>
      tpu.enqueue_dma source(%dma_start3A_100 : memref<80x64xf32, #tpu.memory_space<vmem_shared>>) target(%dma_start3A_98 : memref<80x64xf32, #tpu.memory_space<vmem>>) target_semaphore(%run_scoped3A_90 : memref<!tpu.dma_semaphore, #tpu.memory_space<semaphore_mem>>)
      %dma_wait3A_101 = arith.constant 0 : i32
      %dma_wait3A_102 = arith.constant 0 : i32
      %dma_wait3A_103 = tpu.memref_slice %arg7[%dma_wait3A_101, %dma_wait3A_102] : memref<80x64xf32, #tpu.memory_space<vmem>> -> memref<80x64xf32, #tpu.memory_space<vmem>>
      %dma_wait3A_104 = arith.constant 0 : i32
      %dma_wait3A_105 = tpu.memref_slice %arg10[%add3A_85, %dma_wait3A_104] : memref<10240x64xf32, #tpu.memory_space<vmem_shared>> -> memref<80x64xf32, #tpu.memory_space<vmem_shared>>
      %dma_wait3A_106 = arith.constant 0 : i32
      %dma_wait3A_107 = arith.constant 0 : i32
      %dma_wait3A_108 = tpu.memref_slice %arg7[%dma_wait3A_106, %dma_wait3A_107] : memref<80x64xf32, #tpu.memory_space<vmem>> -> memref<80x64xf32, #tpu.memory_space<vmem>>
      %dma_wait3A_109 = arith.constant 0 : i32
      %dma_wait3A_110 = tpu.memref_slice %arg10[%add3A_85, %dma_wait3A_109] : memref<10240x64xf32, #tpu.memory_space<vmem_shared>> -> memref<80x64xf32, #tpu.memory_space<vmem_shared>>
      tpu.wait_dma2 semaphore(%run_scoped3A_90 : memref<!tpu.dma_semaphore, #tpu.memory_space<semaphore_mem>>) src(%dma_wait3A_110 : memref<80x64xf32, #tpu.memory_space<vmem_shared>>) dst(%dma_wait3A_108 : memref<80x64xf32, #tpu.memory_space<vmem>>)
      tpu.yield
    }) : () -> ()
    "tpu.region"() ({
      %run_scoped3A_90 = tpu.sem_alloc : memref<!tpu.dma_semaphore, #tpu.memory_space<semaphore_mem>>
      %dma_start3A_91 = arith.constant 0 : i32
      %dma_start3A_92 = arith.constant 0 : i32
      %dma_start3A_93 = tpu.memref_slice %arg7[%dma_start3A_91, %dma_start3A_92] : memref<80x64xf32, #tpu.memory_space<vmem>> -> memref<80x64xf32, #tpu.memory_space<vmem>>
      %dma_start3A_94 = arith.constant 0 : i32
      %dma_start3A_95 = tpu.memref_slice %arg4[%arg0, %add3A_85, %dma_start3A_94] : memref<2x10240x128xf32, #tpu.memory_space<hbm>> -> memref<1x80x64xf32, #tpu.memory_space<hbm>>
      %dma_start3A_96 = tpu.memref_squeeze %dma_start3A_95 : memref<1x80x64xf32, #tpu.memory_space<hbm>> -> memref<80x64xf32, #tpu.memory_space<hbm>>
      %dma_start3A_97 = arith.constant 0 : i32
      %dma_start3A_98 = tpu.memref_slice %arg4[%arg0, %add3A_85, %dma_start3A_97] : memref<2x10240x128xf32, #tpu.memory_space<hbm>> -> memref<1x80x64xf32, #tpu.memory_space<hbm>>
      %dma_start3A_99 = tpu.memref_squeeze %dma_start3A_98 : memref<1x80x64xf32, #tpu.memory_space<hbm>> -> memref<80x64xf32, #tpu.memory_space<hbm>>
      %dma_start3A_100 = arith.constant 0 : i32
      %dma_start3A_101 = arith.constant 0 : i32
      %dma_start3A_102 = tpu.memref_slice %arg7[%dma_start3A_100, %dma_start3A_101] : memref<80x64xf32, #tpu.memory_space<vmem>> -> memref<80x64xf32, #tpu.memory_space<vmem>>
      tpu.enqueue_dma source(%dma_start3A_102 : memref<80x64xf32, #tpu.memory_space<vmem>>) target(%dma_start3A_99 : memref<80x64xf32, #tpu.memory_space<hbm>>) target_semaphore(%run_scoped3A_90 : memref<!tpu.dma_semaphore, #tpu.memory_space<semaphore_mem>>)
      %dma_wait3A_103 = arith.constant 0 : i32
      %dma_wait3A_104 = arith.constant 0 : i32
      %dma_wait3A_105 = tpu.memref_slice %arg7[%dma_wait3A_103, %dma_wait3A_104] : memref<80x64xf32, #tpu.memory_space<vmem>> -> memref<80x64xf32, #tpu.memory_space<vmem>>
      %dma_wait3A_106 = arith.constant 0 : i32
      %dma_wait3A_107 = tpu.memref_slice %arg4[%arg0, %add3A_85, %dma_wait3A_106] : memref<2x10240x128xf32, #tpu.memory_space<hbm>> -> memref<1x80x64xf32, #tpu.memory_space<hbm>>
      %dma_wait3A_108 = tpu.memref_squeeze %dma_wait3A_107 : memref<1x80x64xf32, #tpu.memory_space<hbm>> -> memref<80x64xf32, #tpu.memory_space<hbm>>
      %dma_wait3A_109 = arith.constant 0 : i32
      %dma_wait3A_110 = tpu.memref_slice %arg4[%arg0, %add3A_85, %dma_wait3A_109] : memref<2x10240x128xf32, #tpu.memory_space<hbm>> -> memref<1x80x64xf32, #tpu.memory_space<hbm>>
      %dma_wait3A_111 = tpu.memref_squeeze %dma_wait3A_110 : memref<1x80x64xf32, #tpu.memory_space<hbm>> -> memref<80x64xf32, #tpu.memory_space<hbm>>
      %dma_wait3A_112 = arith.constant 0 : i32
      %dma_wait3A_113 = arith.constant 0 : i32
      %dma_wait3A_114 = tpu.memref_slice %arg7[%dma_wait3A_112, %dma_wait3A_113] : memref<80x64xf32, #tpu.memory_space<vmem>> -> memref<80x64xf32, #tpu.memory_space<vmem>>
      tpu.wait_dma2 semaphore(%run_scoped3A_90 : memref<!tpu.dma_semaphore, #tpu.memory_space<semaphore_mem>>) src(%dma_wait3A_114 : memref<80x64xf32, #tpu.memory_space<vmem>>) dst(%dma_wait3A_111 : memref<80x64xf32, #tpu.memory_space<hbm>>)
      tpu.yield
    }) : () -> ()
    %mul3A_86 = arith.constant 640 : i32
    %mul3A_87 = arith.muli %arg1, %mul3A_86 : i32
    %add3A_88 = arith.constant 560 : i32
    %add3A_89 = arith.addi %mul3A_87, %add3A_88 : i32
    "tpu.region"() ({
      %run_scoped3A_90 = tpu.sem_alloc : memref<!tpu.dma_semaphore, #tpu.memory_space<semaphore_mem>>
      %dma_start3A_91 = arith.constant 0 : i32
      %dma_start3A_92 = arith.constant 0 : i32
      %dma_start3A_93 = tpu.memref_slice %arg7[%dma_start3A_91, %dma_start3A_92] : memref<80x64xf32, #tpu.memory_space<vmem>> -> memref<80x64xf32, #tpu.memory_space<vmem>>
      %dma_start3A_94 = arith.constant 0 : i32
      %dma_start3A_95 = tpu.memref_slice %arg10[%add3A_89, %dma_start3A_94] : memref<10240x64xf32, #tpu.memory_space<vmem_shared>> -> memref<80x64xf32, #tpu.memory_space<vmem_shared>>
      %dma_start3A_96 = arith.constant 0 : i32
      %dma_start3A_97 = arith.constant 0 : i32
      %dma_start3A_98 = tpu.memref_slice %arg7[%dma_start3A_96, %dma_start3A_97] : memref<80x64xf32, #tpu.memory_space<vmem>> -> memref<80x64xf32, #tpu.memory_space<vmem>>
      %dma_start3A_99 = arith.constant 0 : i32
      %dma_start3A_100 = tpu.memref_slice %arg10[%add3A_89, %dma_start3A_99] : memref<10240x64xf32, #tpu.memory_space<vmem_shared>> -> memref<80x64xf32, #tpu.memory_space<vmem_shared>>
      tpu.enqueue_dma source(%dma_start3A_100 : memref<80x64xf32, #tpu.memory_space<vmem_shared>>) target(%dma_start3A_98 : memref<80x64xf32, #tpu.memory_space<vmem>>) target_semaphore(%run_scoped3A_90 : memref<!tpu.dma_semaphore, #tpu.memory_space<semaphore_mem>>)
      %dma_wait3A_101 = arith.constant 0 : i32
      %dma_wait3A_102 = arith.constant 0 : i32
      %dma_wait3A_103 = tpu.memref_slice %arg7[%dma_wait3A_101, %dma_wait3A_102] : memref<80x64xf32, #tpu.memory_space<vmem>> -> memref<80x64xf32, #tpu.memory_space<vmem>>
      %dma_wait3A_104 = arith.constant 0 : i32
      %dma_wait3A_105 = tpu.memref_slice %arg10[%add3A_89, %dma_wait3A_104] : memref<10240x64xf32, #tpu.memory_space<vmem_shared>> -> memref<80x64xf32, #tpu.memory_space<vmem_shared>>
      %dma_wait3A_106 = arith.constant 0 : i32
      %dma_wait3A_107 = arith.constant 0 : i32
      %dma_wait3A_108 = tpu.memref_slice %arg7[%dma_wait3A_106, %dma_wait3A_107] : memref<80x64xf32, #tpu.memory_space<vmem>> -> memref<80x64xf32, #tpu.memory_space<vmem>>
      %dma_wait3A_109 = arith.constant 0 : i32
      %dma_wait3A_110 = tpu.memref_slice %arg10[%add3A_89, %dma_wait3A_109] : memref<10240x64xf32, #tpu.memory_space<vmem_shared>> -> memref<80x64xf32, #tpu.memory_space<vmem_shared>>
      tpu.wait_dma2 semaphore(%run_scoped3A_90 : memref<!tpu.dma_semaphore, #tpu.memory_space<semaphore_mem>>) src(%dma_wait3A_110 : memref<80x64xf32, #tpu.memory_space<vmem_shared>>) dst(%dma_wait3A_108 : memref<80x64xf32, #tpu.memory_space<vmem>>)
      tpu.yield
    }) : () -> ()
    "tpu.region"() ({
      %run_scoped3A_90 = tpu.sem_alloc : memref<!tpu.dma_semaphore, #tpu.memory_space<semaphore_mem>>
      %dma_start3A_91 = arith.constant 0 : i32
      %dma_start3A_92 = arith.constant 0 : i32
      %dma_start3A_93 = tpu.memref_slice %arg7[%dma_start3A_91, %dma_start3A_92] : memref<80x64xf32, #tpu.memory_space<vmem>> -> memref<80x64xf32, #tpu.memory_space<vmem>>
      %dma_start3A_94 = arith.constant 0 : i32
      %dma_start3A_95 = tpu.memref_slice %arg4[%arg0, %add3A_89, %dma_start3A_94] : memref<2x10240x128xf32, #tpu.memory_space<hbm>> -> memref<1x80x64xf32, #tpu.memory_space<hbm>>
      %dma_start3A_96 = tpu.memref_squeeze %dma_start3A_95 : memref<1x80x64xf32, #tpu.memory_space<hbm>> -> memref<80x64xf32, #tpu.memory_space<hbm>>
      %dma_start3A_97 = arith.constant 0 : i32
      %dma_start3A_98 = tpu.memref_slice %arg4[%arg0, %add3A_89, %dma_start3A_97] : memref<2x10240x128xf32, #tpu.memory_space<hbm>> -> memref<1x80x64xf32, #tpu.memory_space<hbm>>
      %dma_start3A_99 = tpu.memref_squeeze %dma_start3A_98 : memref<1x80x64xf32, #tpu.memory_space<hbm>> -> memref<80x64xf32, #tpu.memory_space<hbm>>
      %dma_start3A_100 = arith.constant 0 : i32
      %dma_start3A_101 = arith.constant 0 : i32
      %dma_start3A_102 = tpu.memref_slice %arg7[%dma_start3A_100, %dma_start3A_101] : memref<80x64xf32, #tpu.memory_space<vmem>> -> memref<80x64xf32, #tpu.memory_space<vmem>>
      tpu.enqueue_dma source(%dma_start3A_102 : memref<80x64xf32, #tpu.memory_space<vmem>>) target(%dma_start3A_99 : memref<80x64xf32, #tpu.memory_space<hbm>>) target_semaphore(%run_scoped3A_90 : memref<!tpu.dma_semaphore, #tpu.memory_space<semaphore_mem>>)
      %dma_wait3A_103 = arith.constant 0 : i32
      %dma_wait3A_104 = arith.constant 0 : i32
      %dma_wait3A_105 = tpu.memref_slice %arg7[%dma_wait3A_103, %dma_wait3A_104] : memref<80x64xf32, #tpu.memory_space<vmem>> -> memref<80x64xf32, #tpu.memory_space<vmem>>
      %dma_wait3A_106 = arith.constant 0 : i32
      %dma_wait3A_107 = tpu.memref_slice %arg4[%arg0, %add3A_89, %dma_wait3A_106] : memref<2x10240x128xf32, #tpu.memory_space<hbm>> -> memref<1x80x64xf32, #tpu.memory_space<hbm>>
      %dma_wait3A_108 = tpu.memref_squeeze %dma_wait3A_107 : memref<1x80x64xf32, #tpu.memory_space<hbm>> -> memref<80x64xf32, #tpu.memory_space<hbm>>
      %dma_wait3A_109 = arith.constant 0 : i32
      %dma_wait3A_110 = tpu.memref_slice %arg4[%arg0, %add3A_89, %dma_wait3A_109] : memref<2x10240x128xf32, #tpu.memory_space<hbm>> -> memref<1x80x64xf32, #tpu.memory_space<hbm>>
      %dma_wait3A_111 = tpu.memref_squeeze %dma_wait3A_110 : memref<1x80x64xf32, #tpu.memory_space<hbm>> -> memref<80x64xf32, #tpu.memory_space<hbm>>
      %dma_wait3A_112 = arith.constant 0 : i32
      %dma_wait3A_113 = arith.constant 0 : i32
      %dma_wait3A_114 = tpu.memref_slice %arg7[%dma_wait3A_112, %dma_wait3A_113] : memref<80x64xf32, #tpu.memory_space<vmem>> -> memref<80x64xf32, #tpu.memory_space<vmem>>
      tpu.wait_dma2 semaphore(%run_scoped3A_90 : memref<!tpu.dma_semaphore, #tpu.memory_space<semaphore_mem>>) src(%dma_wait3A_114 : memref<80x64xf32, #tpu.memory_space<vmem>>) dst(%dma_wait3A_111 : memref<80x64xf32, #tpu.memory_space<hbm>>)
      tpu.yield
    }) : () -> ()
    return
  }
}

module attributes {stable_mosaic.version = 14 : i64} {
  func.func @_dense_body(%arg0: memref<10000x200xf32, #tpu.memory_space<vmem>>, %arg1: memref<200x64xf32, #tpu.memory_space<vmem>>, %arg2: memref<2x80x128xf32, #tpu.memory_space<vmem>>, %arg3: memref<10240x64xf32, #tpu.memory_space<vmem>>, %arg4: memref<10000x1xf32, #tpu.memory_space<vmem>>) attributes {dimension_semantics = [], scalar_prefetch = 0 : i64, scratch_operands = 0 : i64, tpu.core_type = #tpu.core_type<tc>} {
    %get3A = arith.constant 0 : index
    %get3A_0 = arith.constant 0 : index
    %get3A_1 = arith.constant 0 : index
    %get3A_2 = vector.load %arg2[%get3A, %get3A_0, %get3A_1] : memref<2x80x128xf32, #tpu.memory_space<vmem>>, vector<2x80x128xf32>
    %slice3A = vector.extract_strided_slice %get3A_2 {offsets = [0, 0, 0], sizes = [1, 80, 128], strides = [1, 1, 1]} : vector<2x80x128xf32> to vector<1x80x128xf32>
    %squeeze3A = vector.shape_cast %slice3A : vector<1x80x128xf32> to vector<80x128xf32>
    %slice3A_3 = vector.extract_strided_slice %get3A_2 {offsets = [1, 0, 0], sizes = [1, 80, 128], strides = [1, 1, 1]} : vector<2x80x128xf32> to vector<1x80x128xf32>
    %squeeze3A_4 = vector.shape_cast %slice3A_3 : vector<1x80x128xf32> to vector<80x128xf32>
    %add3A = arith.addf %squeeze3A, %squeeze3A_4 : vector<80x128xf32>
    %add3A_5 = arith.constant 1.000000e+00 : f32
    %add3A_6 = vector.broadcast %add3A_5 : f32 to vector<80x128xf32>
    %add3A_7 = arith.addf %add3A, %add3A_6 : vector<80x128xf32>
    %reshape3A = vector.shape_cast %add3A_7 : vector<80x128xf32> to vector<1x10240xf32>
    %rsqrt3A = math.rsqrt %reshape3A : vector<1x10240xf32>
    %reshape3A_8 = vector.shape_cast %rsqrt3A : vector<1x10240xf32> to vector<10240x1xf32>
    %slice3A_9 = vector.extract_strided_slice %reshape3A_8 {offsets = [0, 0], sizes = [10000, 1], strides = [1, 1]} : vector<10240x1xf32> to vector<10000x1xf32>
    %swap3A = arith.constant 0 : index
    %swap3A_10 = arith.constant 0 : index
    %swap3A_11 = vector.load %arg4[%swap3A, %swap3A_10] : memref<10000x1xf32, #tpu.memory_space<vmem>>, vector<10000x1xf32>
    tpu.vector_store %arg4[%swap3A, %swap3A_10], %slice3A_9 {strides = array<i32>} : memref<10000x1xf32, #tpu.memory_space<vmem>>, vector<10000x1xf32>,
    %broadcast_in_dim3A = arith.constant 0.000000e+00 : f32
    %broadcast_in_dim3A_12 = vector.broadcast %broadcast_in_dim3A : f32 to vector<240x64xf32>
    %swap3A_13 = arith.constant 10000 : index
    %swap3A_14 = arith.constant 0 : index
    %swap3A_15 = vector.load %arg3[%swap3A_13, %swap3A_14] : memref<10240x64xf32, #tpu.memory_space<vmem>>, vector<240x64xf32>
    tpu.vector_store %arg3[%swap3A_13, %swap3A_14], %broadcast_in_dim3A_12 {strides = array<i32>} : memref<10240x64xf32, #tpu.memory_space<vmem>>, vector<240x64xf32>,
    %get3A_16 = arith.constant 0 : index
    %get3A_17 = arith.constant 0 : index
    %get3A_18 = vector.load %arg0[%get3A_16, %get3A_17] : memref<10000x200xf32, #tpu.memory_space<vmem>>, vector<10000x200xf32>
    %get3A_19 = arith.constant 0 : index
    %get3A_20 = arith.constant 0 : index
    %get3A_21 = vector.load %arg1[%get3A_19, %get3A_20] : memref<200x64xf32, #tpu.memory_space<vmem>>, vector<200x64xf32>
    %dot_general3A = arith.constant dense<0.000000e+00> : vector<10000x64xf32>
    %dot_general3A_22 = tpu.matmul %get3A_18, %get3A_21, %dot_general3A {dimension_numbers = #tpu.dot_dimension_numbers<[1], [0], [0], [1], [0, 0, 1, 1], [], []>, transpose_lhs_hint = false} : vector<10000x200xf32>, vector<200x64xf32>, vector<10000x64xf32> -> vector<10000x64xf32>
    %mul3A = vector.broadcast %slice3A_9 : vector<10000x1xf32> to vector<10000x64xf32>
    %mul3A_23 = arith.mulf %dot_general3A_22, %mul3A : vector<10000x64xf32>
    %swap3A_24 = arith.constant 0 : index
    %swap3A_25 = arith.constant 0 : index
    %swap3A_26 = vector.load %arg3[%swap3A_24, %swap3A_25] : memref<10240x64xf32, #tpu.memory_space<vmem>>, vector<10000x64xf32>
    tpu.vector_store %arg3[%swap3A_24, %swap3A_25], %mul3A_23 {strides = array<i32>} : memref<10240x64xf32, #tpu.memory_space<vmem>>, vector<10000x64xf32>,
    return
  }
}

module attributes {stable_mosaic.version = 14 : i64} {
  func.func @_final_body(%arg0: i32, %arg1: memref<2x10000x128xf32, #tpu.memory_space<vmem>>, %arg2: memref<10000x64xf32, #tpu.memory_space<vmem>>, %arg3: memref<10000x1xf32, #tpu.memory_space<vmem>>, %arg4: memref<1x64xf32, #tpu.memory_space<vmem>>, %arg5: memref<1x64xf32, #tpu.memory_space<vmem>>, %arg6: memref<1x64xf32, #tpu.memory_space<vmem>>, %arg7: memref<10000x64xf32, #tpu.memory_space<vmem>>) attributes {dimension_semantics = [#tpu.dimension_semantics<arbitrary>], iteration_bounds = array<i64: 1>, scalar_prefetch = 0 : i64, scratch_operands = 0 : i64, tpu.core_type = #tpu.core_type<tc>, window_params = [{transform_indices = @transform_0, window_bounds = array<i64: 2, 10000, 128>}, {transform_indices = @transform_1, window_bounds = array<i64: 10000, 64>}, {pipeline_mode = #tpu.pipeline_mode<synchronous>, transform_indices = @transform_2, window_bounds = array<i64: 10000, 1>}, {pipeline_mode = #tpu.pipeline_mode<synchronous>, transform_indices = @transform_3, window_bounds = array<i64: 1, 64>}, {pipeline_mode = #tpu.pipeline_mode<synchronous>, transform_indices = @transform_4, window_bounds = array<i64: 1, 64>}, {pipeline_mode = #tpu.pipeline_mode<synchronous>, transform_indices = @transform_5, window_bounds = array<i64: 1, 64>}, {pipeline_mode = #tpu.pipeline_mode<synchronous>, transform_indices = @transform_6, window_bounds = array<i64: 10000, 64>}]} {
    %get3A = arith.constant 0 : index
    %get3A_0 = arith.constant 0 : index
    %get3A_1 = arith.constant 0 : index
    %get3A_2 = vector.load %arg1[%get3A, %get3A_0, %get3A_1] : memref<2x10000x128xf32, #tpu.memory_space<vmem>>, vector<1x10000x64xf32>
    %get3A_3 = vector.shape_cast %get3A_2 : vector<1x10000x64xf32> to vector<10000x64xf32>
    %get3A_4 = arith.constant 1 : index
    %get3A_5 = arith.constant 0 : index
    %get3A_6 = arith.constant 0 : index
    %get3A_7 = vector.load %arg1[%get3A_4, %get3A_5, %get3A_6] : memref<2x10000x128xf32, #tpu.memory_space<vmem>>, vector<1x10000x64xf32>
    %get3A_8 = vector.shape_cast %get3A_7 : vector<1x10000x64xf32> to vector<10000x64xf32>
    %add3A = arith.addf %get3A_3, %get3A_8 : vector<10000x64xf32>
    %get3A_9 = arith.constant 0 : index
    %get3A_10 = arith.constant 0 : index
    %get3A_11 = vector.load %arg2[%get3A_9, %get3A_10] : memref<10000x64xf32, #tpu.memory_space<vmem>>, vector<10000x64xf32>
    %add3A_12 = arith.addf %add3A, %get3A_11 : vector<10000x64xf32>
    %get3A_13 = arith.constant 0 : index
    %get3A_14 = arith.constant 0 : index
    %get3A_15 = vector.load %arg3[%get3A_13, %get3A_14] : memref<10000x1xf32, #tpu.memory_space<vmem>>, vector<10000x1xf32>
    %mul3A = vector.broadcast %get3A_15 : vector<10000x1xf32> to vector<10000x64xf32>
    %mul3A_16 = arith.mulf %add3A_12, %mul3A : vector<10000x64xf32>
    %get3A_17 = arith.constant 0 : index
    %get3A_18 = arith.constant 0 : index
    %get3A_19 = vector.load %arg4[%get3A_17, %get3A_18] : memref<1x64xf32, #tpu.memory_space<vmem>>, vector<1x64xf32>
    %add3A_20 = vector.broadcast %get3A_19 : vector<1x64xf32> to vector<10000x64xf32>
    %add3A_21 = arith.addf %mul3A_16, %add3A_20 : vector<10000x64xf32>
    %max3A = arith.constant 0.000000e+00 : f32
    %max3A_22 = vector.broadcast %max3A : f32 to vector<10000x64xf32>
    %max3A_23 = arith.maximumf %add3A_21, %max3A_22 : vector<10000x64xf32>
    %reduce_sum3A = arith.constant dense<0.000000e+00> : vector<64xf32>
    %reduce_sum3A_24 = vector.multi_reduction <add>, %max3A_23, %reduce_sum3A [0] : vector<10000x64xf32> to vector<64xf32>
    %broadcast_in_dim3A = vector.shape_cast %reduce_sum3A_24 : vector<64xf32> to vector<1x64xf32>
    %div3A = arith.constant 1.000000e+04 : f32
    %div3A_25 = vector.broadcast %div3A : f32 to vector<1x64xf32>
    %div3A_26 = arith.divf %broadcast_in_dim3A, %div3A_25 : vector<1x64xf32>
    %sub3A = vector.broadcast %div3A_26 : vector<1x64xf32> to vector<10000x64xf32>
    %sub3A_27 = arith.subf %max3A_23, %sub3A : vector<10000x64xf32>
    %mul3A_28 = arith.mulf %sub3A_27, %sub3A_27 : vector<10000x64xf32>
    %reduce_sum3A_29 = arith.constant dense<0.000000e+00> : vector<64xf32>
    %reduce_sum3A_30 = vector.multi_reduction <add>, %mul3A_28, %reduce_sum3A_29 [0] : vector<10000x64xf32> to vector<64xf32>
    %broadcast_in_dim3A_31 = vector.shape_cast %reduce_sum3A_30 : vector<64xf32> to vector<1x64xf32>
    %div3A_32 = arith.constant 1.000000e+04 : f32
    %div3A_33 = vector.broadcast %div3A_32 : f32 to vector<1x64xf32>
    %div3A_34 = arith.divf %broadcast_in_dim3A_31, %div3A_33 : vector<1x64xf32>
    %add3A_35 = arith.constant 9.99999974E-6 : f32
    %add3A_36 = vector.broadcast %add3A_35 : f32 to vector<1x64xf32>
    %add3A_37 = arith.addf %div3A_34, %add3A_36 : vector<1x64xf32>
    %rsqrt3A = math.rsqrt %add3A_37 : vector<1x64xf32>
    %mul3A_38 = vector.broadcast %rsqrt3A : vector<1x64xf32> to vector<10000x64xf32>
    %mul3A_39 = arith.mulf %sub3A_27, %mul3A_38 : vector<10000x64xf32>
    %get3A_40 = arith.constant 0 : index
    %get3A_41 = arith.constant 0 : index
    %get3A_42 = vector.load %arg5[%get3A_40, %get3A_41] : memref<1x64xf32, #tpu.memory_space<vmem>>, vector<1x64xf32>
    %mul3A_43 = vector.broadcast %get3A_42 : vector<1x64xf32> to vector<10000x64xf32>
    %mul3A_44 = arith.mulf %mul3A_39, %mul3A_43 : vector<10000x64xf32>
    %get3A_45 = arith.constant 0 : index
    %get3A_46 = arith.constant 0 : index
    %get3A_47 = vector.load %arg6[%get3A_45, %get3A_46] : memref<1x64xf32, #tpu.memory_space<vmem>>, vector<1x64xf32>
    %add3A_48 = vector.broadcast %get3A_47 : vector<1x64xf32> to vector<10000x64xf32>
    %add3A_49 = arith.addf %mul3A_44, %add3A_48 : vector<10000x64xf32>
    %swap3A = arith.constant 0 : index
    %swap3A_50 = arith.constant 0 : index
    %swap3A_51 = vector.load %arg7[%swap3A, %swap3A_50] : memref<10000x64xf32, #tpu.memory_space<vmem>>, vector<10000x64xf32>
    tpu.vector_store %arg7[%swap3A, %swap3A_50], %add3A_49 {strides = array<i32>} : memref<10000x64xf32, #tpu.memory_space<vmem>>, vector<10000x64xf32>,
    return
  }
  func.func @transform_0(%arg0: i32) -> (i32, i32, i32) {
    %c0_i32 = arith.constant 0 : i32
    %c0_i32_0 = arith.constant 0 : i32
    %c0_i32_1 = arith.constant 0 : i32
    %c0_i32_2 = arith.constant 0 : i32
    return %c0_i32, %c0_i32_0, %c0_i32_1 : i32, i32, i32
  }
  func.func @transform_1(%arg0: i32) -> (i32, i32) {
    %c0_i32 = arith.constant 0 : i32
    %c0_i32_0 = arith.constant 0 : i32
    %c0_i32_1 = arith.constant 0 : i32
    return %c0_i32, %c0_i32_0 : i32, i32
  }
  func.func @transform_2(%arg0: i32) -> (i32, i32) {
    %c0_i32 = arith.constant 0 : i32
    %c0_i32_0 = arith.constant 0 : i32
    %c0_i32_1 = arith.constant 0 : i32
    return %c0_i32, %c0_i32_0 : i32, i32
  }
  func.func @transform_3(%arg0: i32) -> (i32, i32) {
    %c0_i32 = arith.constant 0 : i32
    %c0_i32_0 = arith.constant 0 : i32
    %c0_i32_1 = arith.constant 0 : i32
    return %c0_i32, %c0_i32_0 : i32, i32
  }
  func.func @transform_4(%arg0: i32) -> (i32, i32) {
    %c0_i32 = arith.constant 0 : i32
    %c0_i32_0 = arith.constant 0 : i32
    %c0_i32_1 = arith.constant 0 : i32
    return %c0_i32, %c0_i32_0 : i32, i32
  }
  func.func @transform_5(%arg0: i32) -> (i32, i32) {
    %c0_i32 = arith.constant 0 : i32
    %c0_i32_0 = arith.constant 0 : i32
    %c0_i32_1 = arith.constant 0 : i32
    return %c0_i32, %c0_i32_0 : i32, i32
  }
  func.func @transform_6(%arg0: i32) -> (i32, i32) {
    %c0_i32 = arith.constant 0 : i32
    %c0_i32_0 = arith.constant 0 : i32
    %c0_i32_1 = arith.constant 0 : i32
    return %c0_i32, %c0_i32_0 : i32, i32
  }
}

</mosaic_0001>

<sc_bundles>
// kernel: kernel.6.cloned.1.call-start
scs
__scs_entry_jumppad:
0x0: {  	(pc) =	sbr.rel $0x88, $3  }
0x1: {  	(tag) =	ssettag $0x0;
	lr =	simm.s32 $0x1  }
0x2: {  	[smem:$0x3F9B] =	sst lr;
	_ =	strace $0xD0000000  }
0x3: {  	_ = 	snop  }
0x4: {  	_ = 	snop  }
0x5: {  	_ = 	snop  }
0x6: {  	_ = 	snop  }
0x7: {  	_ = 	snop  }
__scs_overlays_trampoline_lowered:
0x8: {  	[smem:$0x3FAA] =	sst s0  }
0x9: {  	[smem:$0x3FAB] =	sst s1  }
0xa: {  	[smem:$0x3FAC] =	sst s2  }
0xb: {  	[smem:$0x3FAD] =	sst s3  }
0xc: {  	[smem:$0x3FAE] =	sst s4  }
0xd: {  	[smem:$0x3FAF] =	sst s5  }
0xe: {  	[smem:$0x3FB0] =	sst s6  }
0xf: {  	[smem:$0x3FB1] =	sst s7  }
0x10: {  	[smem:$0x3FB2] =	sst s8  }
0x11: {  	[smem:$0x3FB3] =	sst s9;
	s0 =	simm.s32 @!p0 $0x0  }
0x12: {  	s1 =	sld [smem:$0x3F99];
	s0 =	simm.s32 @p0 $0x1  }
0x13: {  	[smem:$0x3FB4] =	sst s0;
	s0 =	simm.s32 @!p1 $0x0  }
0x14: {  	s2 =	sld [smem:$0x3F98];
	s0 =	simm.s32 @p1 $0x1  }
0x15: {  	[smem:$0x3FB5] =	sst s0;
	s0 =	simm.s32 @!p2 $0x0  }
0x16: {  	s3 =	sld [smem:$0x3FDB];
	s0 =	simm.s32 @p2 $0x1  }
0x17: {  	s4 =	simm.s32 $0x1BF5;
	[smem:$0x3FB7] =	sst s0  }
0x18: {  	s0 =	sld [smem:$0x3F9A];
	_ =	swait.ge [sflag:s4], $0x0  }
0x19: {  	s7 =	sld [smem:$0x3F9B]  }
0x1a: {  	s8 =	sadd.s32 $0xFFFFE003, lr  }
0x1b: {  	s9 =	sadd.s32 $0xFFFFFEF7, lr;
	s5 =	simm.s32 $0xFFFFFFFF;
	p2 =	slt.u32 s8, $0xFFFFF086  }
0x1c: {  	p1 =	slt.u32 s9, $0xF7A;
	s5 =	simm.s32 @!p2 $0x0  }
0x1d: {  	s5 =	simm.s32 @p1 $0x1;
	p0 =	seq.s32 s7, s2  }
0x1e: {  	s7 =	smul.u32 @!p0 $0xF7A, s2;
	p2 =	seq.s32 @!p0 s5, $0x0  }
0x1f: {  	s9 =	smul.u32 $0xF7A, s1;
	s8 =	simm.s32 @!p0 $0x1BF5;
	p2 =	por !p2, p0  }
0x20: {  	[sflag:s8] =	ssyncset.s32 @!p0 $0xFFFFF086;
	s6 =	sadd.s32 @!p0 s3, s7;
	s7 =	simm.s32 @!p0 $0x108  }
0x21: {  	s3 =	sadd.s32 s3, s9;
	s6 =	sadd.s32 @!p0 $0x88, s6;
	s7 =	simm.s32 @p2 $0x1082  }
0x22: {  	[simem:s7], [sflag:s8] =	dma.local @!p0 [hbm:s6], $0xF7A  }
0x23: {  	s9 =	sor.u32 $0xD0000000, s2;
	s6 =	simm.s32 $0x108;
	_ =	swait.ge @!p0 [sflag:s8], $0x0  }
0x24: {  	s3 =	sadd.s32 $0x88, s3;
	s6 =	simm.s32 @!p1 $0x1082;
	[sflag:s4] =	ssyncset.s32 $0xFFFFF086  }
0x25: {  	[simem:s6], [sflag:s4] =	dma.local [hbm:s3], $0xF7A  }
0x26: {  	[smem:$0x3F9B] =	sst s1;
	(tag) =	ssettag s2;
	_ =	strace s9  }
0x27: {  	s1 =	sld [smem:$0x3FAB]  }
0x28: {  	s2 =	sld [smem:$0x3FAC]  }
0x29: {  	s4 =	sld [smem:$0x3FAE]  }
0x2a: {  	p0 =	seq.s32 s5, $0x0;
	s5 =	sld [smem:$0x3FAF]  }
0x2b: {  	s6 =	sld [smem:$0x3FB0]  }
0x2c: {  	s7 =	sld [smem:$0x3FB1]  }
0x2d: {  	s3 =	simm.s32 $0x108;
	s8 =	sld [smem:$0x3FB2]  }
0x2e: {  	s3 =	simm.s32 @!p0 $0x1082;
	s9 =	sld [smem:$0x3FB3]  }
0x2f: {  	lr =	sadd.s32 s0, s3;
	s0 =	sld [smem:$0x3FAA]  }
0x30: {  	s3 =	sld [smem:$0x3FAD]  }
0x31: {  	[smem:$0x3FB6] =	sst s10  }
0x32: {  	s10 =	sld [smem:$0x3FB4];
	_ =	sdelay $0x3  }
0x33: {  	p0 =	seq.s32 s10, $0x1;
	s10 =	sld [smem:$0x3FB6];
	_ =	sdelay $0x3  }
0x34: {  	[smem:$0x3FB6] =	sst s10  }
0x35: {  	s10 =	sld [smem:$0x3FB5];
	_ =	sdelay $0x3  }
0x36: {  	p1 =	seq.s32 s10, $0x1;
	s10 =	sld [smem:$0x3FB6];
	_ =	sdelay $0x3  }
0x37: {  	[smem:$0x3FB6] =	sst s10  }
0x38: {  	s10 =	sld [smem:$0x3FB7]  }
0x39: {  	_ = 	snop;
	(pc) =	sbr.ind lr, $3  }
0x3a: {  	_ = 	snop  }
0x3b: {  	_ = 	snop  }
0x3c: {  	p2 =	seq.s32 s10, $0x1;
	s10 =	sld [smem:$0x3FB6]  }
0x3d: {  	_ =	shalt  }
0x3e: {  	_ =	shalt  }
0x3f: {  	_ =	shalt  }
0x40: {  	_ =	shalt  }
0x41: {  	_ =	shalt  }
0x42: {  	_ =	shalt  }
0x43: {  	_ =	shalt  }
0x44: {  	_ =	shalt  }
0x45: {  	_ =	shalt  }
0x46: {  	_ =	shalt  }
0x47: {  	_ =	shalt  }
0x48: {  	_ =	shalt  }
0x49: {  	_ =	shalt  }
0x4a: {  	_ =	shalt  }
0x4b: {  	_ =	shalt  }
0x4c: {  	_ =	shalt  }
0x4d: {  	_ =	shalt  }
0x4e: {  	_ =	shalt  }
0x4f: {  	_ =	shalt  }
0x50: {  	_ =	shalt  }
0x51: {  	_ =	shalt  }
0x52: {  	_ =	shalt  }
0x53: {  	_ =	shalt  }
0x54: {  	_ =	shalt  }
0x55: {  	_ =	shalt  }
0x56: {  	_ =	shalt  }
0x57: {  	_ =	shalt  }
0x58: {  	_ =	shalt  }
0x59: {  	_ =	shalt  }
0x5a: {  	_ =	shalt  }
0x5b: {  	_ =	shalt  }
0x5c: {  	_ =	shalt  }
0x5d: {  	_ =	shalt  }
0x5e: {  	_ =	shalt  }
0x5f: {  	_ =	shalt  }
0x60: {  	_ =	shalt  }
0x61: {  	_ =	shalt  }
0x62: {  	_ =	shalt  }
0x63: {  	_ =	shalt  }
0x64: {  	_ =	shalt  }
0x65: {  	_ =	shalt  }
0x66: {  	_ =	shalt  }
0x67: {  	_ =	shalt  }
0x68: {  	_ =	shalt  }
0x69: {  	_ =	shalt  }
0x6a: {  	_ =	shalt  }
0x6b: {  	_ =	shalt  }
0x6c: {  	_ =	shalt  }
0x6d: {  	_ =	shalt  }
0x6e: {  	_ =	shalt  }
0x6f: {  	_ =	shalt  }
0x70: {  	_ =	shalt  }
0x71: {  	_ =	shalt  }
0x72: {  	_ =	shalt  }
0x73: {  	_ =	shalt  }
0x74: {  	_ =	shalt  }
0x75: {  	_ =	shalt  }
0x76: {  	_ =	shalt  }
0x77: {  	_ =	shalt  }
0x78: {  	_ =	shalt  }
0x79: {  	_ =	shalt  }
0x7a: {  	_ =	shalt  }
0x7b: {  	_ =	shalt  }
0x7c: {  	_ =	shalt  }
0x7d: {  	_ =	shalt  }
0x7e: {  	_ =	shalt  }
0x7f: {  	_ =	shalt  }
0x80: {  	_ =	shalt  }
0x81: {  	_ =	shalt  }
0x82: {  	_ =	shalt  }
0x83: {  	_ =	shalt  }
0x84: {  	_ =	shalt  }
0x85: {  	_ =	shalt  }
0x86: {  	_ =	shalt  }
0x87: {  	_ =	shalt  }
.Lfunc_end0:
.L_simem_size_0:
called_computation_lowered:
.L_overlay_start_0:
0x88: {  	s2 =	sld [smem:$0x3FD9]  }
0x89: {  	s3 =	sld [smem:$0x3FFE];
	_ =	sdelay $0x1  }
0x8a: {  	s1 =	srdreg.scid  }
0x8b: {  	s0 =	sand.u32 $0x1, s1  }
0x8c: {  	s17 =	sshll.u32 s0, $0xA;
	s2 =	sadd.s32 s3, s2  }
0x8d: {  	s2 =	sadd.s32 s2, s17  }
0x8e: {  	[smem:$0x3FC2] =	sst s2  }
0x8f: {  	_ = 	snop  }
0x90: {  	s2 =	sld [smem:$0x3FD0];
	(tm) =	ssettm $0x1  }
0x91: {  	s18 =	sld [smem:$0x3FFB];
	_ =	sdelay $0x3  }
0x92: {  	_ =	strace s18  }
0x93: {  	s3 =	sld [smem:$0x3FFC];
	_ =	sdelay $0x3  }
0x94: {  	_ =	strace s3  }
0x95: {  	s3 =	sld [smem:$0x3FFD];
	_ =	sdelay $0x3  }
0x96: {  	_ =	strace s3  }
0x97: {  	_ =	strace $0x8FFFFFFF  }
0x98: {  	s19 =	sld [smem:$0x3FDB];
	_ =	sdelay $0x1  }
0x99: {  	s4 =	simm.s32 $_scs_section_size  }
0x9a: {  	s5 =	simm.s32 $_size__tile_overlayer_lowered;
	s6 =	simm.s32 $_tile_overlayer_lowered  }
0x9b: {  	s22 =	simm.s32 $0x1BFF;
	s21 =	sshll.u32 s6, $0x1;
	s3 =	sadd.s32 s4, s19  }
0x9c: {  	s7 =	simm.s32 $0x0;
	s20 =	sshll.u32 s5, $0x1;
	s5 =	sadd.s32 s21, s3  }
0x9d: {  	[timem:s7], [sflag:s22] =	dma.local [hbm:s5], s20  }
0x9e: {  	_ =	swait.ge [sflag:s22], s20  }
0x9f: {  	s4 =	ssub.s32 $0x0, s20;
	[sflag:s22] =	ssyncset.done $0x0  }
0xa0: {  	[sflag:s22] =	ssyncadd.s32 s4;
	_ =	sdelay $0x1  }
0xa1: {  	s23 =	simm.s32 $0x1B8B  }
0xa2: {  	_ =	swait.ge [sflag:s23], $0x1  }
0xa3: {  	[sflag:s23] =	ssyncset.done $0x0  }
0xa4: {  	s25 =	simm.s32 $0x1B8E;
	s24 =	sld [smem:$0x3FFE];
	[sflag:s23] =	ssyncadd.s32 $0xFFFFFFFF  }
0xa5: {  	s26 =	simm.s32 $execute0_lowered;
	[smem:$0x3FD2] =	sst s25  }
0xa6: {  	s5 =	sshll.u32 s26, $0x1;
	_ =	strace $0x80000046;
	[dreg:$0x1] =	wrdreg $0xFFFFFFFF  }
0xa7: {  	s28 =	simm.s32 $_size_execute0_lowered;
	s3 =	sadd.s32 s3, s5;
	[dreg:$0x0] =	wrdreg $0x0  }
0xa8: {  	s5 =	sshll.u32 s28, $0x1;
	[dreg:$0x2] =	wrdreg s3  }
0xa9: {  	[dreg:$0x3] =	wrdreg s5  }
0xaa: {  	[dreg:$0x4] =	wrdreg $0xC0  }
0xab: {  	_ =	task [dreg:s7], $0x5FFFF  }
0xac: {  	[dreg:$0x1] =	wrdreg $0xFFFFFFFF  }
0xad: {  	[dreg:$0x0] =	wrdreg $0x60  }
0xae: {  	[dreg:$0x2] =	wrdreg s2  }
0xaf: {  	[dreg:$0x3] =	wrdreg s24  }
0xb0: {  	[dreg:$0x4] =	wrdreg $0x2C800  }
0xb1: {  	[dreg:$0x5] =	wrdreg $0x9  }
0xb2: {  	_ =	task.clear_ibuf [dreg:s7], $0x6FFFF;
	_ =	strace $0x90000046  }
0xb3: {  	s29 =	simm.s32 $0x9;
	_ =	strace $0x80000048  }
0xb4: {  	_ =	swait.ge [sflag:s29], $0x1  }
0xb5: {  	[sflag:s29] =	ssyncadd.s32 $0xFFFFFFFF  }
0xb6: {  	_ =	strace $0x90000048  }
0xb7: {  	_ =	sfence  }
0xb8: {  	s30 =	sld [smem:$0x0];
	_ =	sdelay $0x2  }
0xb9: {  	s31 =	sshll.u32 s1, $0xD;
	s1 =	sshrl.u32 s1, $0x2  }
0xba: {  	s3 =	sand.u32 $0x4000, s31;
	s1 =	sadd.s32 s1, s30  }
0xbb: {  	s0 =	sor.u32 s3, s0;
	s1 =	sshll.u32 s1, $0x11  }
0xbc: {  	s0 =	sor.u32 s1, s0  }
0xbd: {  	s0 =	sadd.s32 $0x8F2B, s0  }
0xbe: {  	[sflag:s0] =	ssyncadd.remote.s32 $0x1  }
0xbf: {  	_ =	sfence.sel $0xFFFF  }
0xc0: {  	[dreg:$0x0] =	wrdreg $0xFFFFFFFF;
	(pc) =	sbr.abs _section_cstart, $3  }
0xc1: {  	[dreg:$0x1] =	wrdreg $0xFFFFFFFF  }
0xc2: {  	_ =	task.clear_ibuf [dreg:s7], $0x2FFFF;
	_ =	strace $0x9FFFFFFF  }
0xc3: {  	(tm) =	ssettm $0x7FFFFFFF  }
tec
execute0_lowered:
.L_overlay_start_1:
0x0: {  	(tag) =	ssettag $0x1  }
0x1: {  	s4 =	rddreg [dreg:$0x0]  }
0x2: {  	s5 =	rddreg [dreg:$0x1]  }
0x3: {  	s2 =	rddreg [dreg:$0x2]  }
0x4: {  	s0 =	srdreg.scid;
	s1 =	rddreg [dreg:$0x3];
	s3 =	simm.s32 $0x0  }
0x5: {  	s10 =	simm.s32 $0x50;
	s11 =	simm.s32 $0x2710;
	s12 =	simm.s32 $0x1  }
0x6: {  	s13 =	simm.s32 $0x2A00;
	s6 =	sand.u32 $0x1, s0;
	s0 =	stileid.u32  }
0x7: {  	s14 =	simm.s32 $0x0;
	[smem:$0x7FF] =	sst s3;
	s7 =	smul.u32 $0x2800, s6  }
0x8: {  	s8 =	smul.u32 $0x280, s0;
	s9 =	sshll.u32 s6, $0x4;
	_ =	strace $0x80000047  }
0x9: {  	s26 =	smul.u32 $0xA00, s0;
	s28 =	ssub.s32 $0x2, s6;
	s9 =	sor.u32 s0, s9  }
0xa: {  	s30 =	sshrl.u32 s28, $0x1;
	s7 =	sadd.s32 s8, s7;
	s25 =	smul.u32 $0x2710, s9  }
0xb: {  	s31 =	sshrl.u32 s26, $0x2;
	s8 =	ssub.s32 s28, s30;
	s7 =	sshrl.u32 s7, $0x3  }
0xc: {  	s9 =	simm.s32 $0x2780;
	s7 =	sadd.s32 s7, s5;
	s29 =	sshrl.u32 s25, $0x3  }
0xd: {  	s5 =	sadd.s32 s31, s2;
	s4 =	sadd.s32 s4, s29;
	s6 =	sadd.s32 $0x1600, s7  }
0xe: {  	v0 =	vimm.f32 $1.000000000e+00;
	v1 =	vimm.f32 $0.0e+00;
	s7 =	smax.u32 s8, $0x1;
	s8 =	simm.s32 $0x2;
	s4 =	sadd.s32 $0x9C40, s4  }
.LBB2_1:
0xf: {  	[tilespmem:s3], [sflag:$0x2] =	stream.linear.gather [hbm4b:s4+s3], $0x2710, $0x38;
	[tilespmem:$0x2F00] =	vst v63  }
0x10: {  	_ =	swait.ge [sflag:s8], $0x2710  }
0x11: {  	[sflag:s8] =	ssyncset.done $0x0  }
0x12: {  	[sflag:s8] =	ssyncadd.s32 $0xFFFFD8F0  }
0x13: {  	[tilespmem:$0x2710] =	vst v0  }
0x14: {  	[tilespmem:$0x2720] =	vst v0  }
0x15: {  	[tilespmem:$0x2730] =	vst v0  }
0x16: {  	[tilespmem:$0x2740] =	vst v0  }
0x17: {  	[tilespmem:$0x2750] =	vst v0  }
0x18: {  	[tilespmem:$0x2760] =	vst v0  }
0x19: {  	[tilespmem:$0x2770] =	vst v0  }
0x1a: {  	[tilespmem:$0x2780] =	vst v1  }
0x1b: {  	[tilespmem:$0x2790] =	vst v1  }
0x1c: {  	[tilespmem:$0x27A0] =	vst v1  }
0x1d: {  	[tilespmem:$0x27B0] =	vst v1  }
0x1e: {  	[tilespmem:$0x27C0] =	vst v1  }
0x1f: {  	[tilespmem:$0x27D0] =	vst v1  }
0x20: {  	[tilespmem:$0x27E0] =	vst v1  }
0x21: {  	[tilespmem:$0x27F0] =	vst v1  }
0x22: {  	[tilespmem:$0x2800] =	vst v1  }
0x23: {  	[tilespmem:$0x2810] =	vst v1  }
0x24: {  	[tilespmem:$0x2820] =	vst v1  }
0x25: {  	[tilespmem:$0x2830] =	vst v1  }
0x26: {  	[tilespmem:$0x2840] =	vst v1  }
0x27: {  	[tilespmem:$0x2850] =	vst v1  }
0x28: {  	[tilespmem:$0x2860] =	vst v1  }
0x29: {  	[tilespmem:$0x2870] =	vst v1  }
0x2a: {  	[tilespmem:$0x2880] =	vst v1  }
0x2b: {  	[tilespmem:$0x2890] =	vst v1  }
0x2c: {  	[tilespmem:$0x28A0] =	vst v1  }
0x2d: {  	[tilespmem:$0x28B0] =	vst v1  }
0x2e: {  	[tilespmem:$0x28C0] =	vst v1  }
0x2f: {  	[tilespmem:$0x28D0] =	vst v1  }
0x30: {  	[tilespmem:$0x28E0] =	vst v1  }
0x31: {  	[tilespmem:$0x28F0] =	vst v1  }
0x32: {  	[tilespmem:$0x2900] =	vst v1  }
0x33: {  	[tilespmem:$0x2910] =	vst v1  }
0x34: {  	[tilespmem:$0x2920] =	vst v1  }
0x35: {  	[tilespmem:$0x2930] =	vst v1  }
0x36: {  	[tilespmem:$0x2940] =	vst v1  }
0x37: {  	[tilespmem:$0x2950] =	vst v1  }
0x38: {  	[tilespmem:$0x2960] =	vst v1  }
0x39: {  	[tilespmem:$0x2970] =	vst v1  }
0x3a: {  	[tilespmem:$0x2980] =	vst v1  }
0x3b: {  	[tilespmem:$0x2990] =	vst v1  }
0x3c: {  	[tilespmem:$0x29A0] =	vst v1  }
0x3d: {  	[tilespmem:$0x29B0] =	vst v1  }
0x3e: {  	[tilespmem:$0x29C0] =	vst v1  }
0x3f: {  	[tilespmem:$0x29D0] =	vst v1  }
0x40: {  	[tilespmem:$0x29E0] =	vst v1  }
0x41: {  	[tilespmem:$0x29F0] =	vst v1  }
0x42: {  	[spmem:s5] =	stream.linear.scatter [tilespmem:s9], [sflag:$0x2], $0x280, $0x38;
	[tilespmem:$0x2F00] =	vst v63  }
0x43: {  	_ =	swait.ge [sflag:s8], $0x280  }
0x44: {  	[sflag:s8] =	ssyncset.done $0x0  }
0x45: {  	[sflag:s8] =	ssyncadd.s32 $0xFFFFFD80  }
0x46: {  	s15 =	simm.s32 $0x0;
	[bflag:$0x0] =	sbarrier.arrive $0xFFFF  }
0x47: {  	[spmem:s2] =	stream.indirect.scatter.add.f32 [tilespmem:s11], [sflag:$0x1], $0x1, s15, s10, $0xb8;
	[tilespmem:$0x2F00] =	vst v63  }
0x48: {  	s28 =	simm.s32 $0x50  }
0x49: {  	[spmem:s2] =	stream.indirect.scatter.add.f32 [tilespmem:s11], [sflag:$0x1], $0x1, s28, s10, $0xb8;
	[tilespmem:$0x2F00] =	vst v63  }
0x4a: {  	s29 =	simm.s32 $0xA0  }
0x4b: {  	[spmem:s2] =	stream.indirect.scatter.add.f32 [tilespmem:s11], [sflag:$0x1], $0x1, s29, s10, $0xb8;
	[tilespmem:$0x2F00] =	vst v63  }
0x4c: {  	s30 =	simm.s32 $0xF0  }
0x4d: {  	[spmem:s2] =	stream.indirect.scatter.add.f32 [tilespmem:s11], [sflag:$0x1], $0x1, s30, s10, $0xb8;
	[tilespmem:$0x2F00] =	vst v63  }
0x4e: {  	s31 =	simm.s32 $0x140  }
0x4f: {  	[spmem:s2] =	stream.indirect.scatter.add.f32 [tilespmem:s11], [sflag:$0x1], $0x1, s31, s10, $0xb8;
	[tilespmem:$0x2F00] =	vst v63  }
0x50: {  	_ =	swait.ge [sflag:s12], $0x50  }
0x51: {  	[sflag:s12] =	ssyncset.done $0x0  }
0x52: {  	[sflag:s12] =	ssyncadd.s32 $0xFFFFFFB0  }
0x53: {  	_ =	swait.ge [sflag:s12], $0x50  }
0x54: {  	[sflag:s12] =	ssyncset.done $0x0  }
0x55: {  	[sflag:s12] =	ssyncadd.s32 $0xFFFFFFB0  }
0x56: {  	_ =	swait.ge [sflag:s12], $0x50  }
0x57: {  	[sflag:s12] =	ssyncset.done $0x0  }
0x58: {  	[sflag:s12] =	ssyncadd.s32 $0xFFFFFFB0  }
0x59: {  	_ =	swait.ge [sflag:s12], $0x50  }
0x5a: {  	[sflag:s12] =	ssyncset.done $0x0  }
0x5b: {  	[sflag:s12] =	ssyncadd.s32 $0xFFFFFFB0  }
0x5c: {  	_ =	swait.ge [sflag:s12], $0x50  }
0x5d: {  	s16 =	simm.s32 $0xC80;
	s15 =	simm.s32 $0x640;
	[sflag:s12] =	ssyncset.done $0x0  }
.LBB2_2:
0x5e: {  	s17 =	sshra.s32 s15, $0x2  }
0x5f: {  	[sflag:s12] =	ssyncadd.s32 $0xFFFFFFB0;
	s15 =	smov.u32 s16;
	s18 =	sadd.s32 $0x640, s16  }
0x60: {  	[spmem:s2] =	stream.indirect.scatter.add.f32 [tilespmem:s11], [sflag:$0x1], $0x1, s17, s10, $0xb8;
	[tilespmem:$0x2F00] =	vst v63  }
0x61: {  	p0 =	sne.s32 s16, $0x9600;
	s16 =	sadd.s32 $0x50, s17  }
0x62: {  	[spmem:s2] =	stream.indirect.scatter.add.f32 [tilespmem:s11], [sflag:$0x1], $0x1, s16, s10, $0xb8;
	[tilespmem:$0x2F00] =	vst v63  }
0x63: {  	s16 =	sadd.s32 $0xA0, s17  }
0x64: {  	[spmem:s2] =	stream.indirect.scatter.add.f32 [tilespmem:s11], [sflag:$0x1], $0x1, s16, s10, $0xb8;
	[tilespmem:$0x2F00] =	vst v63  }
0x65: {  	s16 =	sadd.s32 $0xF0, s17  }
0x66: {  	[spmem:s2] =	stream.indirect.scatter.add.f32 [tilespmem:s11], [sflag:$0x1], $0x1, s16, s10, $0xb8;
	[tilespmem:$0x2F00] =	vst v63  }
0x67: {  	s16 =	sadd.s32 $0x140, s17  }
0x68: {  	[spmem:s2] =	stream.indirect.scatter.add.f32 [tilespmem:s11], [sflag:$0x1], $0x1, s16, s10, $0xb8;
	[tilespmem:$0x2F00] =	vst v63  }
0x69: {  	_ =	swait.ge [sflag:s12], $0x50  }
0x6a: {  	[sflag:s12] =	ssyncset.done $0x0  }
0x6b: {  	[sflag:s12] =	ssyncadd.s32 $0xFFFFFFB0  }
0x6c: {  	_ =	swait.ge [sflag:s12], $0x50  }
0x6d: {  	[sflag:s12] =	ssyncset.done $0x0  }
0x6e: {  	[sflag:s12] =	ssyncadd.s32 $0xFFFFFFB0  }
0x6f: {  	_ =	swait.ge [sflag:s12], $0x50  }
0x70: {  	[sflag:s12] =	ssyncset.done $0x0  }
0x71: {  	[sflag:s12] =	ssyncadd.s32 $0xFFFFFFB0  }
.Ltmp0:
0x72: {  	_ =	swait.ge [sflag:s12], $0x50;
	(pc) =	sbr.rel @p0 .LBB2_2-.Ltmp0, $4  }
0x73: {  	[sflag:s12] =	ssyncset.done $0x0  }
0x74: {  	[sflag:s12] =	ssyncadd.s32 $0xFFFFFFB0  }
0x75: {  	_ =	swait.ge [sflag:s12], $0x50  }
0x76: {  	s16 =	smov.u32 s18;
	[sflag:s12] =	ssyncset.done $0x0  }
0x77: {  	s15 =	sshra.s32 s15, $0x2;
	[sflag:s12] =	ssyncadd.s32 $0xFFFFFFB0  }
0x78: {  	[spmem:s2] =	stream.indirect.scatter.add.f32 [tilespmem:s11], [sflag:$0x1], $0x1, s15, s10, $0xb8;
	[tilespmem:$0x2F00] =	vst v63  }
0x79: {  	s16 =	sadd.s32 $0x50, s15  }
0x7a: {  	[spmem:s2] =	stream.indirect.scatter.add.f32 [tilespmem:s11], [sflag:$0x1], $0x1, s16, s10, $0xb8;
	[tilespmem:$0x2F00] =	vst v63  }
0x7b: {  	s30 =	sadd.s32 $0xA0, s15  }
0x7c: {  	[spmem:s2] =	stream.indirect.scatter.add.f32 [tilespmem:s11], [sflag:$0x1], $0x1, s30, s10, $0xb8;
	[tilespmem:$0x2F00] =	vst v63  }
0x7d: {  	s31 =	sadd.s32 $0xF0, s15  }
0x7e: {  	[spmem:s2] =	stream.indirect.scatter.add.f32 [tilespmem:s11], [sflag:$0x1], $0x1, s31, s10, $0xb8;
	[tilespmem:$0x2F00] =	vst v63  }
0x7f: {  	s15 =	sadd.s32 $0x140, s15  }
0x80: {  	[spmem:s2] =	stream.indirect.scatter.add.f32 [tilespmem:s11], [sflag:$0x1], $0x1, s15, s10, $0xb8;
	[tilespmem:$0x2F00] =	vst v63  }
0x81: {  	_ =	swait.ge [sflag:s12], $0x50  }
0x82: {  	[sflag:s12] =	ssyncset.done $0x0  }
0x83: {  	[sflag:s12] =	ssyncadd.s32 $0xFFFFFFB0  }
0x84: {  	_ =	swait.ge [sflag:s12], $0x50  }
0x85: {  	[sflag:s12] =	ssyncset.done $0x0  }
0x86: {  	[sflag:s12] =	ssyncadd.s32 $0xFFFFFFB0  }
0x87: {  	_ =	swait.ge [sflag:s12], $0x50  }
0x88: {  	[sflag:s12] =	ssyncset.done $0x0  }
0x89: {  	[sflag:s12] =	ssyncadd.s32 $0xFFFFFFB0  }
0x8a: {  	_ =	swait.ge [sflag:s12], $0x50  }
0x8b: {  	[sflag:s12] =	ssyncset.done $0x0  }
0x8c: {  	[sflag:s12] =	ssyncadd.s32 $0xFFFFFFB0  }
0x8d: {  	_ =	swait.ge [sflag:s12], $0x50  }
0x8e: {  	[sflag:s12] =	ssyncset.done $0x0  }
0x8f: {  	[sflag:s12] =	ssyncadd.s32 $0xFFFFFFB0  }
0x90: {  	[bflag:$0x0] =	sbarrier.arrive $0xFFFF  }
0x91: {  	[tilespmem:s9], [sflag:$0x2] =	stream.linear.gather [spmem:s5], $0x280, $0x38;
	[tilespmem:$0x2F00] =	vst v63  }
0x92: {  	_ =	swait.ge [sflag:s8], $0x280  }
0x93: {  	[sflag:s8] =	ssyncset.done $0x0  }
0x94: {  	[sflag:s8] =	ssyncadd.s32 $0xFFFFFD80  }
0x95: {  	v2 =	vld [tilespmem:$0x2780]  }
0x96: {  	v3 =	vld [tilespmem:$0x2790]  }
0x97: {  	v4 =	vld [tilespmem:$0x27A0]  }
0x98: {  	v5 =	vld [tilespmem:$0x27B0]  }
0x99: {  	v6 =	vld [tilespmem:$0x27C0]  }
0x9a: {  	v43 =	vld [tilespmem:$0x27F0];
	[tilespmem:$0x2A00] =	vst v2  }
0x9b: {  	v44 =	vld [tilespmem:$0x2800];
	[tilespmem:$0x2A10] =	vst v3  }
0x9c: {  	v45 =	vld [tilespmem:$0x2810];
	[tilespmem:$0x2A20] =	vst v4  }
0x9d: {  	v2 =	vld [tilespmem:$0x27D0];
	[tilespmem:$0x2A30] =	vst v5  }
0x9e: {  	v3 =	vld [tilespmem:$0x27E0];
	[tilespmem:$0x2A40] =	vst v6  }
0x9f: {  	v46 =	vld [tilespmem:$0x2840];
	[tilespmem:$0x2A70] =	vst v43  }
0xa0: {  	v47 =	vld [tilespmem:$0x2850];
	[tilespmem:$0x2A80] =	vst v44  }
0xa1: {  	v48 =	vld [tilespmem:$0x2860];
	[tilespmem:$0x2A90] =	vst v45  }
0xa2: {  	[tilespmem:$0x2A50] =	vst v2;
	v2 =	vld [tilespmem:$0x2820]  }
0xa3: {  	[tilespmem:$0x2A60] =	vst v3;
	v3 =	vld [tilespmem:$0x2830]  }
0xa4: {  	v49 =	vld [tilespmem:$0x2890];
	[tilespmem:$0x2AC0] =	vst v46  }
0xa5: {  	v50 =	vld [tilespmem:$0x28A0];
	[tilespmem:$0x2AD0] =	vst v47  }
0xa6: {  	v51 =	vld [tilespmem:$0x28B0];
	[tilespmem:$0x2AE0] =	vst v48  }
0xa7: {  	[tilespmem:$0x2AA0] =	vst v2;
	v2 =	vld [tilespmem:$0x2870]  }
0xa8: {  	[tilespmem:$0x2AB0] =	vst v3;
	v3 =	vld [tilespmem:$0x2880]  }
0xa9: {  	v52 =	vld [tilespmem:$0x28E0];
	[tilespmem:$0x2B10] =	vst v49  }
0xaa: {  	v53 =	vld [tilespmem:$0x28F0];
	[tilespmem:$0x2B20] =	vst v50  }
0xab: {  	v54 =	vld [tilespmem:$0x2900];
	[tilespmem:$0x2B30] =	vst v51  }
0xac: {  	[tilespmem:$0x2AF0] =	vst v2;
	v2 =	vld [tilespmem:$0x28C0]  }
0xad: {  	[tilespmem:$0x2B00] =	vst v3;
	v3 =	vld [tilespmem:$0x28D0]  }
0xae: {  	v55 =	vld [tilespmem:$0x2930];
	[tilespmem:$0x2B60] =	vst v52  }
0xaf: {  	v56 =	vld [tilespmem:$0x2940];
	[tilespmem:$0x2B70] =	vst v53  }
0xb0: {  	v57 =	vld [tilespmem:$0x2950];
	[tilespmem:$0x2B80] =	vst v54  }
0xb1: {  	[tilespmem:$0x2B40] =	vst v2;
	v2 =	vld [tilespmem:$0x2910]  }
0xb2: {  	[tilespmem:$0x2B50] =	vst v3;
	v3 =	vld [tilespmem:$0x2920]  }
0xb3: {  	v58 =	vld [tilespmem:$0x2980];
	[tilespmem:$0x2BB0] =	vst v55  }
0xb4: {  	v59 =	vld [tilespmem:$0x2990];
	[tilespmem:$0x2BC0] =	vst v56  }
0xb5: {  	v60 =	vld [tilespmem:$0x29A0];
	[tilespmem:$0x2BD0] =	vst v57  }
0xb6: {  	[tilespmem:$0x2B90] =	vst v2;
	v2 =	vld [tilespmem:$0x2960]  }
0xb7: {  	[tilespmem:$0x2BA0] =	vst v3;
	v3 =	vld [tilespmem:$0x2970]  }
0xb8: {  	v61 =	vld [tilespmem:$0x29D0];
	[tilespmem:$0x2C00] =	vst v58  }
0xb9: {  	v62 =	vld [tilespmem:$0x29E0];
	[tilespmem:$0x2C10] =	vst v59  }
0xba: {  	v63 =	vld [tilespmem:$0x29F0];
	[tilespmem:$0x2C20] =	vst v60  }
0xbb: {  	[tilespmem:$0x2BE0] =	vst v2;
	v2 =	vld [tilespmem:$0x29B0]  }
0xbc: {  	[tilespmem:$0x2BF0] =	vst v3;
	v3 =	vld [tilespmem:$0x29C0]  }
0xbd: {  	[tilespmem:$0x2C50] =	vst v61  }
0xbe: {  	[tilespmem:$0x2C60] =	vst v62  }
0xbf: {  	s14 =	sadd.s32 $0x1, s14;
	[tilespmem:$0x2C70] =	vst v63  }
0xc0: {  	p0 =	sne.s32 s14, s7;
	[tilespmem:$0x2C30] =	vst v2  }
.Ltmp1:
0xc1: {  	[tilespmem:$0x2C40] =	vst v3;
	(pc) =	sbr.rel @p0 .LBB2_1-.Ltmp1, $4  }
0xc2: {  	[hbm4b:s6+s3] =	stream.linear.scatter [tilespmem:s13], [sflag:$0x2], $0x280, $0x38;
	[tilespmem:$0x2F00] =	vst v63  }
0xc3: {  	_ =	swait.ge [sflag:s8], $0x280  }
0xc4: {  	[sflag:s8] =	ssyncset.done $0x0  }
0xc5: {  	[sflag:s8] =	ssyncadd.s32 $0xFFFFFD80  }
0xc6: {  	_ =	sfence.sel $0x180000  }
0xc7: {  	[bflag:$0x0] =	sbarrier.arrive $0xFFFF  }
0xc8: {  	p0 =	sne.s32 s0, $0x0;
	_ =	strace $0x90000047  }
0xc9: {  	s0 =	sadd.s32 @!p0 $0x100000, s1;
	[bflag:$0x2] =	sbarrier.arrive $0xFFFF  }
0xca: {  	[sflag:s0] =	ssyncadd.tile.s32 @!p0 $0x1;
	_ =	shalt  }
.Lfunc_end2:
_tile_overlayer_lowered:
.L_overlay_start_2:
0xcb: {  	(tag) =	ssettag $0x2  }
0xcc: {  	s0 =	rddreg [dreg:$0x0];
	s2 =	stileid.u32  }
0xcd: {  	s1 =	rddreg [dreg:$0x1];
	p0 =	sne.s32 s2, $0x0  }
0xce: {  	s3 =	rddreg [dreg:$0x2];
	[bflag:$0x3] =	sbarrier.arrive $0xFFFF;
	s2 =	simm.s32 @!p0 $0x1C02  }
0xcf: {  	[timem:s3], [sflag:s2] =	dma.local @!p0 [hbm:s0], s1  }
0xd0: {  	s0 =	simm.s32 @!p0 $0x2  }
0xd1: {  	_ =	swait.ge @!p0 [sflag:s0], s1  }
0xd2: {  	s1 =	ssub.s32 @!p0 $0x0, s1;
	[sflag:s0] =	ssyncset.done @!p0 $0x0  }
0xd3: {  	[sflag:s0] =	ssyncadd.s32 @!p0 s1  }
0xd4: {  	[bflag:$0x3] =	sbarrier.arrive $0xFFFF  }
0xd5: {  	_ =	shalt  }

// kernel: kernel.9.cloned.1.call-start
scs
__scs_entry_jumppad:
0x0: {  	(pc) =	sbr.rel $0x88, $3  }
0x1: {  	(tag) =	ssettag $0x0;
	lr =	simm.s32 $0x1  }
0x2: {  	[smem:$0x3F9B] =	sst lr;
	_ =	strace $0xD0000000  }
0x3: {  	_ = 	snop  }
0x4: {  	_ = 	snop  }
0x5: {  	_ = 	snop  }
0x6: {  	_ = 	snop  }
0x7: {  	_ = 	snop  }
__scs_overlays_trampoline_lowered:
0x8: {  	[smem:$0x3FAA] =	sst s0  }
0x9: {  	[smem:$0x3FAB] =	sst s1  }
0xa: {  	[smem:$0x3FAC] =	sst s2  }
0xb: {  	[smem:$0x3FAD] =	sst s3  }
0xc: {  	[smem:$0x3FAE] =	sst s4  }
0xd: {  	[smem:$0x3FAF] =	sst s5  }
0xe: {  	[smem:$0x3FB0] =	sst s6  }
0xf: {  	[smem:$0x3FB1] =	sst s7  }
0x10: {  	[smem:$0x3FB2] =	sst s8  }
0x11: {  	[smem:$0x3FB3] =	sst s9;
	s0 =	simm.s32 @!p0 $0x0  }
0x12: {  	s1 =	sld [smem:$0x3F99];
	s0 =	simm.s32 @p0 $0x1  }
0x13: {  	[smem:$0x3FB4] =	sst s0;
	s0 =	simm.s32 @!p1 $0x0  }
0x14: {  	s2 =	sld [smem:$0x3F98];
	s0 =	simm.s32 @p1 $0x1  }
0x15: {  	[smem:$0x3FB5] =	sst s0;
	s0 =	simm.s32 @!p2 $0x0  }
0x16: {  	s3 =	sld [smem:$0x3FDB];
	s0 =	simm.s32 @p2 $0x1  }
0x17: {  	s4 =	simm.s32 $0x1BF5;
	[smem:$0x3FB7] =	sst s0  }
0x18: {  	s0 =	sld [smem:$0x3F9A];
	_ =	swait.ge [sflag:s4], $0x0  }
0x19: {  	s7 =	sld [smem:$0x3F9B]  }
0x1a: {  	s8 =	sadd.s32 $0xFFFFE003, lr  }
0x1b: {  	s9 =	sadd.s32 $0xFFFFFEF7, lr;
	s5 =	simm.s32 $0xFFFFFFFF;
	p2 =	slt.u32 s8, $0xFFFFF086  }
0x1c: {  	p1 =	slt.u32 s9, $0xF7A;
	s5 =	simm.s32 @!p2 $0x0  }
0x1d: {  	s5 =	simm.s32 @p1 $0x1;
	p0 =	seq.s32 s7, s2  }
0x1e: {  	s7 =	smul.u32 @!p0 $0xF7A, s2;
	p2 =	seq.s32 @!p0 s5, $0x0  }
0x1f: {  	s9 =	smul.u32 $0xF7A, s1;
	s8 =	simm.s32 @!p0 $0x1BF5;
	p2 =	por !p2, p0  }
0x20: {  	[sflag:s8] =	ssyncset.s32 @!p0 $0xFFFFF086;
	s6 =	sadd.s32 @!p0 s3, s7;
	s7 =	simm.s32 @!p0 $0x108  }
0x21: {  	s3 =	sadd.s32 s3, s9;
	s6 =	sadd.s32 @!p0 $0x88, s6;
	s7 =	simm.s32 @p2 $0x1082  }
0x22: {  	[simem:s7], [sflag:s8] =	dma.local @!p0 [hbm:s6], $0xF7A  }
0x23: {  	s9 =	sor.u32 $0xD0000000, s2;
	s6 =	simm.s32 $0x108;
	_ =	swait.ge @!p0 [sflag:s8], $0x0  }
0x24: {  	s3 =	sadd.s32 $0x88, s3;
	s6 =	simm.s32 @!p1 $0x1082;
	[sflag:s4] =	ssyncset.s32 $0xFFFFF086  }
0x25: {  	[simem:s6], [sflag:s4] =	dma.local [hbm:s3], $0xF7A  }
0x26: {  	[smem:$0x3F9B] =	sst s1;
	(tag) =	ssettag s2;
	_ =	strace s9  }
0x27: {  	s1 =	sld [smem:$0x3FAB]  }
0x28: {  	s2 =	sld [smem:$0x3FAC]  }
0x29: {  	s4 =	sld [smem:$0x3FAE]  }
0x2a: {  	p0 =	seq.s32 s5, $0x0;
	s5 =	sld [smem:$0x3FAF]  }
0x2b: {  	s6 =	sld [smem:$0x3FB0]  }
0x2c: {  	s7 =	sld [smem:$0x3FB1]  }
0x2d: {  	s3 =	simm.s32 $0x108;
	s8 =	sld [smem:$0x3FB2]  }
0x2e: {  	s3 =	simm.s32 @!p0 $0x1082;
	s9 =	sld [smem:$0x3FB3]  }
0x2f: {  	lr =	sadd.s32 s0, s3;
	s0 =	sld [smem:$0x3FAA]  }
0x30: {  	s3 =	sld [smem:$0x3FAD]  }
0x31: {  	[smem:$0x3FB6] =	sst s10  }
0x32: {  	s10 =	sld [smem:$0x3FB4];
	_ =	sdelay $0x3  }
0x33: {  	p0 =	seq.s32 s10, $0x1;
	s10 =	sld [smem:$0x3FB6];
	_ =	sdelay $0x3  }
0x34: {  	[smem:$0x3FB6] =	sst s10  }
0x35: {  	s10 =	sld [smem:$0x3FB5];
	_ =	sdelay $0x3  }
0x36: {  	p1 =	seq.s32 s10, $0x1;
	s10 =	sld [smem:$0x3FB6];
	_ =	sdelay $0x3  }
0x37: {  	[smem:$0x3FB6] =	sst s10  }
0x38: {  	s10 =	sld [smem:$0x3FB7]  }
0x39: {  	_ = 	snop;
	(pc) =	sbr.ind lr, $3  }
0x3a: {  	_ = 	snop  }
0x3b: {  	_ = 	snop  }
0x3c: {  	p2 =	seq.s32 s10, $0x1;
	s10 =	sld [smem:$0x3FB6]  }
0x3d: {  	_ =	shalt  }
0x3e: {  	_ =	shalt  }
0x3f: {  	_ =	shalt  }
0x40: {  	_ =	shalt  }
0x41: {  	_ =	shalt  }
0x42: {  	_ =	shalt  }
0x43: {  	_ =	shalt  }
0x44: {  	_ =	shalt  }
0x45: {  	_ =	shalt  }
0x46: {  	_ =	shalt  }
0x47: {  	_ =	shalt  }
0x48: {  	_ =	shalt  }
0x49: {  	_ =	shalt  }
0x4a: {  	_ =	shalt  }
0x4b: {  	_ =	shalt  }
0x4c: {  	_ =	shalt  }
0x4d: {  	_ =	shalt  }
0x4e: {  	_ =	shalt  }
0x4f: {  	_ =	shalt  }
0x50: {  	_ =	shalt  }
0x51: {  	_ =	shalt  }
0x52: {  	_ =	shalt  }
0x53: {  	_ =	shalt  }
0x54: {  	_ =	shalt  }
0x55: {  	_ =	shalt  }
0x56: {  	_ =	shalt  }
0x57: {  	_ =	shalt  }
0x58: {  	_ =	shalt  }
0x59: {  	_ =	shalt  }
0x5a: {  	_ =	shalt  }
0x5b: {  	_ =	shalt  }
0x5c: {  	_ =	shalt  }
0x5d: {  	_ =	shalt  }
0x5e: {  	_ =	shalt  }
0x5f: {  	_ =	shalt  }
0x60: {  	_ =	shalt  }
0x61: {  	_ =	shalt  }
0x62: {  	_ =	shalt  }
0x63: {  	_ =	shalt  }
0x64: {  	_ =	shalt  }
0x65: {  	_ =	shalt  }
0x66: {  	_ =	shalt  }
0x67: {  	_ =	shalt  }
0x68: {  	_ =	shalt  }
0x69: {  	_ =	shalt  }
0x6a: {  	_ =	shalt  }
0x6b: {  	_ =	shalt  }
0x6c: {  	_ =	shalt  }
0x6d: {  	_ =	shalt  }
0x6e: {  	_ =	shalt  }
0x6f: {  	_ =	shalt  }
0x70: {  	_ =	shalt  }
0x71: {  	_ =	shalt  }
0x72: {  	_ =	shalt  }
0x73: {  	_ =	shalt  }
0x74: {  	_ =	shalt  }
0x75: {  	_ =	shalt  }
0x76: {  	_ =	shalt  }
0x77: {  	_ =	shalt  }
0x78: {  	_ =	shalt  }
0x79: {  	_ =	shalt  }
0x7a: {  	_ =	shalt  }
0x7b: {  	_ =	shalt  }
0x7c: {  	_ =	shalt  }
0x7d: {  	_ =	shalt  }
0x7e: {  	_ =	shalt  }
0x7f: {  	_ =	shalt  }
0x80: {  	_ =	shalt  }
0x81: {  	_ =	shalt  }
0x82: {  	_ =	shalt  }
0x83: {  	_ =	shalt  }
0x84: {  	_ =	shalt  }
0x85: {  	_ =	shalt  }
0x86: {  	_ =	shalt  }
0x87: {  	_ =	shalt  }
.Lfunc_end0:
.L_simem_size_0:
called_computation.1_lowered:
.L_overlay_start_0:
0x88: {  	s2 =	sld [smem:$0x3FD9]  }
0x89: {  	s3 =	sld [smem:$0x3FFE];
	_ =	sdelay $0x1  }
0x8a: {  	s1 =	srdreg.scid  }
0x8b: {  	s0 =	sand.u32 $0x1, s1  }
0x8c: {  	s17 =	sshll.u32 s0, $0xA;
	s2 =	sadd.s32 s3, s2  }
0x8d: {  	s2 =	sadd.s32 s2, s17  }
0x8e: {  	[smem:$0x3FC2] =	sst s2  }
0x8f: {  	_ = 	snop  }
0x90: {  	s2 =	sld [smem:$0x3FD0];
	(tm) =	ssettm $0x1  }
0x91: {  	s18 =	sld [smem:$0x3FFB];
	_ =	sdelay $0x3  }
0x92: {  	_ =	strace s18  }
0x93: {  	s3 =	sld [smem:$0x3FFC];
	_ =	sdelay $0x3  }
0x94: {  	_ =	strace s3  }
0x95: {  	s3 =	sld [smem:$0x3FFD];
	_ =	sdelay $0x3  }
0x96: {  	_ =	strace s3  }
0x97: {  	_ =	strace $0x8FFFFFFF  }
0x98: {  	s19 =	sld [smem:$0x3FDB];
	_ =	sdelay $0x1  }
0x99: {  	s4 =	simm.s32 $_scs_section_size  }
0x9a: {  	s5 =	simm.s32 $_size__tile_overlayer_lowered;
	s6 =	simm.s32 $_tile_overlayer_lowered  }
0x9b: {  	s22 =	simm.s32 $0x1BFF;
	s21 =	sshll.u32 s6, $0x1;
	s3 =	sadd.s32 s4, s19  }
0x9c: {  	s7 =	simm.s32 $0x0;
	s20 =	sshll.u32 s5, $0x1;
	s5 =	sadd.s32 s21, s3  }
0x9d: {  	[timem:s7], [sflag:s22] =	dma.local [hbm:s5], s20  }
0x9e: {  	_ =	swait.ge [sflag:s22], s20  }
0x9f: {  	s4 =	ssub.s32 $0x0, s20;
	[sflag:s22] =	ssyncset.done $0x0  }
0xa0: {  	[sflag:s22] =	ssyncadd.s32 s4;
	_ =	sdelay $0x1  }
0xa1: {  	s23 =	simm.s32 $0x1B8B  }
0xa2: {  	_ =	swait.ge [sflag:s23], $0x1  }
0xa3: {  	[sflag:s23] =	ssyncset.done $0x0  }
0xa4: {  	s25 =	simm.s32 $0x1B8E;
	s24 =	sld [smem:$0x3FFE];
	[sflag:s23] =	ssyncadd.s32 $0xFFFFFFFF  }
0xa5: {  	s26 =	simm.s32 $execute0_lowered;
	[smem:$0x3FD2] =	sst s25  }
0xa6: {  	s5 =	sshll.u32 s26, $0x1;
	_ =	strace $0x80000049;
	[dreg:$0x1] =	wrdreg $0xFFFFFFFF  }
0xa7: {  	s28 =	simm.s32 $_size_execute0_lowered;
	s3 =	sadd.s32 s3, s5;
	[dreg:$0x0] =	wrdreg $0x0  }
0xa8: {  	s5 =	sshll.u32 s28, $0x1;
	[dreg:$0x2] =	wrdreg s3  }
0xa9: {  	[dreg:$0x3] =	wrdreg s5  }
0xaa: {  	[dreg:$0x4] =	wrdreg $0xC0  }
0xab: {  	_ =	task [dreg:s7], $0x5FFFF  }
0xac: {  	[dreg:$0x1] =	wrdreg $0xFFFFFFFF  }
0xad: {  	[dreg:$0x0] =	wrdreg $0x60  }
0xae: {  	[dreg:$0x2] =	wrdreg s24  }
0xaf: {  	[dreg:$0x3] =	wrdreg s2  }
0xb0: {  	[dreg:$0x4] =	wrdreg $0x76200  }
0xb1: {  	[dreg:$0x5] =	wrdreg $0x116200  }
0xb2: {  	[dreg:$0x6] =	wrdreg $0x9  }
0xb3: {  	_ =	task.clear_ibuf [dreg:s7], $0x7FFFF;
	_ =	strace $0x90000049  }
0xb4: {  	s29 =	simm.s32 $0x9;
	_ =	strace $0x8000004B  }
0xb5: {  	_ =	swait.ge [sflag:s29], $0x1  }
0xb6: {  	[sflag:s29] =	ssyncadd.s32 $0xFFFFFFFF  }
0xb7: {  	_ =	strace $0x9000004B  }
0xb8: {  	_ =	sfence  }
0xb9: {  	s30 =	sld [smem:$0x0];
	_ =	sdelay $0x2  }
0xba: {  	s31 =	sshll.u32 s1, $0xD;
	s1 =	sshrl.u32 s1, $0x2  }
0xbb: {  	s3 =	sand.u32 $0x4000, s31;
	s1 =	sadd.s32 s1, s30  }
0xbc: {  	s0 =	sor.u32 s3, s0;
	s1 =	sshll.u32 s1, $0x11  }
0xbd: {  	s0 =	sor.u32 s1, s0  }
0xbe: {  	s0 =	sadd.s32 $0x8F2B, s0  }
0xbf: {  	[sflag:s0] =	ssyncadd.remote.s32 $0x1  }
0xc0: {  	_ =	sfence.sel $0xFFFF  }
0xc1: {  	[dreg:$0x0] =	wrdreg $0xFFFFFFFF;
	(pc) =	sbr.abs _section_cstart, $3  }
0xc2: {  	[dreg:$0x1] =	wrdreg $0xFFFFFFFF  }
0xc3: {  	_ =	task.clear_ibuf [dreg:s7], $0x2FFFF;
	_ =	strace $0x9FFFFFFF  }
0xc4: {  	(tm) =	ssettm $0x7FFFFFFF  }
0xc5: {  	_ =	shalt  }
tec
execute0_lowered:
.L_overlay_start_1:
0x0: {  	(tag) =	ssettag $0x1  }
0x1: {  	s0 =	rddreg [dreg:$0x0]  }
0x2: {  	s2 =	rddreg [dreg:$0x1]  }
0x3: {  	s1 =	rddreg [dreg:$0x2]  }
0x4: {  	s3 =	rddreg [dreg:$0x3];
	s4 =	srdreg.scid  }
0x5: {  	s5 =	simm.s32 $0x0;
	s11 =	stileid.u32;
	s29 =	simm.s32 $0x4E20  }
0x6: {  	s30 =	simm.s32 $0x50;
	[smem:$0x7FF] =	sst s5;
	s5 =	smul.u32 $0xA000, s11  }
0x7: {  	s31 =	simm.s32 $0x6220;
	s4 =	sand.u32 $0x1, s4;
	s10 =	smul.u32 $0x280, s11  }
0x8: {  	s28 =	simm.s32 $0x40;
	s15 =	smul.u32 $0x14000, s11;
	s6 =	sshll.u32 s4, $0x4  }
0x9: {  	_ =	strace $0x8000004A;
	s8 =	ssub.s32 $0x2, s4;
	s4 =	smul.u32 $0x140000, s4  }
0xa: {  	s6 =	sor.u32 s11, s6;
	s7 =	sshrl.u32 s5, $0x3;
	s9 =	sshrl.u32 s8, $0x1  }
0xb: {  	s19 =	sadd.s32 $0xF0, s10;
	s20 =	sadd.s32 $0x140, s10;
	s21 =	sadd.s32 $0x190, s10  }
0xc: {  	s22 =	sadd.s32 $0x1E0, s10;
	s23 =	sadd.s32 $0x230, s10;
	s6 =	smul.u32 $0x2710, s6  }
0xd: {  	s7 =	sadd.s32 s7, s0;
	s0 =	sadd.s32 $0x15600, s0;
	s24 =	ssub.s32 s8, s9  }
0xe: {  	s8 =	sadd.s32 s15, s4;
	s25 =	sshll.u32 s19, $0x7;
	s12 =	sshll.u32 s20, $0x7  }
0xf: {  	s13 =	sshll.u32 s21, $0x7;
	s14 =	sshll.u32 s22, $0x7;
	s15 =	sshll.u32 s23, $0x7  }
0x10: {  	s19 =	sshll.u32 s19, $0x6;
	s20 =	sshll.u32 s20, $0x6;
	s21 =	sshll.u32 s21, $0x6  }
0x11: {  	s8 =	sshrl.u32 s8, $0x3;
	s11 =	sadd.s32 s4, s25;
	s12 =	sadd.s32 s4, s12  }
0x12: {  	s13 =	sadd.s32 s4, s13;
	s14 =	sadd.s32 s4, s14;
	s19 =	sadd.s32 s19, s3  }
0x13: {  	s20 =	sadd.s32 s20, s3;
	s21 =	sadd.s32 s21, s3;
	s6 =	sshrl.u32 s6, $0x3  }
0x14: {  	s24 =	smax.u32 s24, $0x1;
	s8 =	sadd.s32 s0, s8;
	s16 =	sadd.s32 s2, s6  }
0x15: {  	s2 =	sor.u32 $0x50, s10;
	s6 =	sadd.s32 $0xA0, s10;
	[dreg:$0x7] =	wrdreg s8  }
0x16: {  	s8 =	sshrl.u32 s13, $0x3;
	s17 =	sshll.u32 s2, $0x7;
	s18 =	sshll.u32 s6, $0x7  }
0x17: {  	[dreg:$0x5] =	wrdreg s16;
	s26 =	sadd.s32 $0x9C40, s16;
	s2 =	sshll.u32 s2, $0x6  }
0x18: {  	s9 =	sadd.s32 s4, s17;
	s10 =	sadd.s32 s4, s18;
	s4 =	sadd.s32 s4, s15  }
0x19: {  	[dreg:$0x6] =	wrdreg s26;
	s17 =	sshrl.u32 s11, $0x3;
	s18 =	sshrl.u32 s12, $0x3  }
0x1a: {  	s12 =	sadd.s32 s0, s8;
	s9 =	sshrl.u32 s9, $0x3;
	s16 =	sshrl.u32 s10, $0x3  }
0x1b: {  	s26 =	sadd.s32 s0, s17;
	s11 =	sadd.s32 s0, s18;
	s4 =	sshrl.u32 s4, $0x3  }
0x1c: {  	s10 =	sadd.s32 s5, s1;
	s17 =	sadd.s32 s2, s3;
	s18 =	sshll.u32 s6, $0x6  }
0x1d: {  	s2 =	simm.s32 $0x2;
	s15 =	sadd.s32 s0, s9;
	s25 =	sadd.s32 s0, s16  }
0x1e: {  	[dreg:$0xa] =	wrdreg s26;
	s9 =	sshrl.u32 s14, $0x3;
	s14 =	sadd.s32 s0, s4  }
0x1f: {  	s16 =	sadd.s32 s5, s3;
	s18 =	sadd.s32 s18, s3;
	s26 =	sshll.u32 s23, $0x6  }
0x20: {  	s4 =	simm.s32 $0x80;
	s5 =	simm.s32 $0x0;
	[dreg:$0x8] =	wrdreg s15  }
0x21: {  	[dreg:$0x9] =	wrdreg s25;
	s13 =	sadd.s32 s0, s9;
	s15 =	sadd.s32 $0x1600, s7  }
0x22: {  	s25 =	sshll.u32 s22, $0x6;
	s23 =	sadd.s32 s26, s3;
	s26 =	simm.s32 $0x3  }
0x23: {  	v0 =	vimm.f32 $0.0e+00;
	s0 =	simm.s32 $0x1;
	s22 =	sadd.s32 s25, s3;
	s25 =	sshrl.u32 s10, $0x3  }
.LBB2_1:
0x24: {  	s6 =	simm.s32 $0x0;
	s7 =	rddreg [dreg:$0x5]  }
0x25: {  	[tilespmem:s6], [sflag:$0x3] =	stream.linear.gather [hbm4b:s7+s6], $0x2710, $0x38;
	[tilespmem:$0x1B620] =	vst v63  }
0x26: {  	_ =	swait.ge [sflag:s26], $0x2710  }
0x27: {  	[sflag:s26] =	ssyncset.done $0x0  }
0x28: {  	s8 =	simm.s32 $0x2710;
	s9 =	rddreg [dreg:$0x6];
	[sflag:s26] =	ssyncadd.s32 $0xFFFFD8F0  }
0x29: {  	[tilespmem:s8], [sflag:$0x3] =	stream.linear.gather [hbm4b:s9+s6], $0x2710, $0x38;
	[tilespmem:$0x1B620] =	vst v63  }
0x2a: {  	s10 =	stileid.u32;
	_ =	swait.ge [sflag:s26], $0x2710  }
0x2b: {  	s6 =	sshll.u32 s10, $0x6;
	[sflag:s26] =	ssyncset.done $0x0  }
0x2c: {  	s6 =	sor.u32 $0x1C03, s6;
	[sflag:s26] =	ssyncadd.s32 $0xFFFFD8F0  }
0x2d: {  	[spmem:s25], [sflag:s6] =	dma.local [hbm:s15], $0x1400  }
0x2e: {  	_ =	swait.ge [sflag:s26], $0x1400  }
0x2f: {  	[sflag:s26] =	ssyncset.done $0x0  }
0x30: {  	s7 =	simm.s32 $0x100;
	s6 =	simm.s32 $0x0;
	[sflag:s26] =	ssyncadd.s32 $0xFFFFEC00  }
.LBB2_2:
0x31: {  	p0 =	sne.s32 s7, $0x4F00;
	[tilespmem:s6+$0x4E50] =	vst v0;
	s8 =	smov.u32 s7;
	s7 =	sadd.s32 $0x100, s7  }
.Ltmp0:
0x32: {  	[tilespmem:s6+$0x4E40] =	vst v0;
	(pc) =	sbr.rel @p0 .LBB2_2-.Ltmp0, $3  }
0x33: {  	[tilespmem:s6+$0x4E20] =	vst v0  }
0x34: {  	[tilespmem:s6+$0x4E30] =	vst v0;
	_ =	sdelay $0x1  }
0x35: {  	s6 =	sshra.s32 s8, $0x2  }
0x36: {  	[tilespmem:s6+$0x4E50] =	vst v0  }
0x37: {  	[tilespmem:s6+$0x4E40] =	vst v0  }
0x38: {  	[tilespmem:s6+$0x4E20] =	vst v0  }
0x39: {  	[tilespmem:s6+$0x4E30] =	vst v0  }
0x3a: {  	[spmem:s16] =	stream.linear.scatter [tilespmem:s29], [sflag:$0x3], $0x1400, $0x38;
	[tilespmem:$0x1B620] =	vst v63  }
0x3b: {  	_ =	swait.ge [sflag:s26], $0x1400  }
0x3c: {  	[sflag:s26] =	ssyncset.done $0x0  }
0x3d: {  	[sflag:s26] =	ssyncadd.s32 $0xFFFFEC00  }
0x3e: {  	[spmem:s17] =	stream.linear.scatter [tilespmem:s29], [sflag:$0x3], $0x1400, $0x38;
	[tilespmem:$0x1B620] =	vst v63  }
0x3f: {  	_ =	swait.ge [sflag:s26], $0x1400  }
0x40: {  	[sflag:s26] =	ssyncset.done $0x0  }
0x41: {  	[sflag:s26] =	ssyncadd.s32 $0xFFFFEC00  }
0x42: {  	[spmem:s18] =	stream.linear.scatter [tilespmem:s29], [sflag:$0x3], $0x1400, $0x38;
	[tilespmem:$0x1B620] =	vst v63  }
0x43: {  	_ =	swait.ge [sflag:s26], $0x1400  }
0x44: {  	[sflag:s26] =	ssyncset.done $0x0  }
0x45: {  	[sflag:s26] =	ssyncadd.s32 $0xFFFFEC00  }
0x46: {  	[spmem:s19] =	stream.linear.scatter [tilespmem:s29], [sflag:$0x3], $0x1400, $0x38;
	[tilespmem:$0x1B620] =	vst v63  }
0x47: {  	_ =	swait.ge [sflag:s26], $0x1400  }
0x48: {  	[sflag:s26] =	ssyncset.done $0x0  }
0x49: {  	[sflag:s26] =	ssyncadd.s32 $0xFFFFEC00  }
0x4a: {  	[spmem:s20] =	stream.linear.scatter [tilespmem:s29], [sflag:$0x3], $0x1400, $0x38;
	[tilespmem:$0x1B620] =	vst v63  }
0x4b: {  	_ =	swait.ge [sflag:s26], $0x1400  }
0x4c: {  	[sflag:s26] =	ssyncset.done $0x0  }
0x4d: {  	[sflag:s26] =	ssyncadd.s32 $0xFFFFEC00  }
0x4e: {  	[spmem:s21] =	stream.linear.scatter [tilespmem:s29], [sflag:$0x3], $0x1400, $0x38;
	[tilespmem:$0x1B620] =	vst v63  }
0x4f: {  	_ =	swait.ge [sflag:s26], $0x1400  }
0x50: {  	[sflag:s26] =	ssyncset.done $0x0  }
0x51: {  	[sflag:s26] =	ssyncadd.s32 $0xFFFFEC00  }
0x52: {  	[spmem:s22] =	stream.linear.scatter [tilespmem:s29], [sflag:$0x3], $0x1400, $0x38;
	[tilespmem:$0x1B620] =	vst v63  }
0x53: {  	_ =	swait.ge [sflag:s26], $0x1400  }
0x54: {  	[sflag:s26] =	ssyncset.done $0x0  }
0x55: {  	[sflag:s26] =	ssyncadd.s32 $0xFFFFEC00  }
0x56: {  	[spmem:s23] =	stream.linear.scatter [tilespmem:s29], [sflag:$0x3], $0x1400, $0x38;
	[tilespmem:$0x1B620] =	vst v63  }
0x57: {  	_ =	swait.ge [sflag:s26], $0x1400  }
0x58: {  	[sflag:s26] =	ssyncset.done $0x0  }
0x59: {  	[sflag:s26] =	ssyncadd.s32 $0xFFFFEC00  }
0x5a: {  	s10 =	simm.s32 $0x0;
	[bflag:$0x0] =	sbarrier.arrive $0xFFFF  }
0x5b: {  	[tilespmem:s29], [sflag:$0x1] =	stream.indirect.gather [spmem:s1], $0x40, s10, s30, $0xb8;
	[tilespmem:$0x1B620] =	vst v63  }
0x5c: {  	s7 =	simm.s32 $0x50  }
0x5d: {  	[tilespmem:s31], [sflag:$0x2] =	stream.indirect.gather [spmem:s1], $0x40, s7, s30, $0xb8;
	[tilespmem:$0x1B620] =	vst v63  }
0x5e: {  	_ =	swait.ge [sflag:s0], $0x1400  }
0x5f: {  	[sflag:s0] =	ssyncset.done $0x0  }
0x60: {  	s8 =	simm.s32 $0x2710;
	[sflag:s0] =	ssyncadd.s32 $0xFFFFEC00  }
0x61: {  	[spmem:s3] =	stream.indirect.scatter.add.f32 [tilespmem:s29], [sflag:$0x3], $0x40, s8, s30, $0xb8;
	[tilespmem:$0x1B620] =	vst v63  }
0x62: {  	_ =	swait.ge [sflag:s26], $0x1400  }
0x63: {  	[sflag:s26] =	ssyncset.done $0x0  }
0x64: {  	s9 =	simm.s32 $0xA0;
	[sflag:s26] =	ssyncadd.s32 $0xFFFFEC00  }
0x65: {  	[tilespmem:s29], [sflag:$0x1] =	stream.indirect.gather [spmem:s1], $0x40, s9, s30, $0xb8;
	[tilespmem:$0x1B620] =	vst v63  }
0x66: {  	_ =	swait.ge [sflag:s2], $0x1400  }
0x67: {  	[sflag:s2] =	ssyncset.done $0x0  }
0x68: {  	s10 =	simm.s32 $0x2760;
	[sflag:s2] =	ssyncadd.s32 $0xFFFFEC00  }
0x69: {  	[spmem:s3] =	stream.indirect.scatter.add.f32 [tilespmem:s31], [sflag:$0x3], $0x40, s10, s30, $0xb8;
	[tilespmem:$0x1B620] =	vst v63  }
0x6a: {  	_ =	swait.ge [sflag:s26], $0x1400  }
0x6b: {  	s6 =	simm.s32 $0xA0;
	s7 =	simm.s32 $0x500;
	[sflag:s26] =	ssyncset.done $0x0  }
.LBB2_4:
0x6c: {  	s8 =	sadd.s32 $0x50, s6  }
0x6d: {  	[sflag:s26] =	ssyncadd.s32 $0xFFFFEC00;
	s9 =	smov.u32 s7;
	s10 =	sadd.s32 $0x280, s7  }
0x6e: {  	[tilespmem:s31], [sflag:$0x2] =	stream.indirect.gather [spmem:s1], $0x40, s8, s30, $0xb8;
	[tilespmem:$0x1B620] =	vst v63  }
0x6f: {  	p0 =	sne.s32 s7, $0x9880;
	_ =	swait.ge [sflag:s0], $0x1400  }
0x70: {  	[sflag:s0] =	ssyncset.done $0x0  }
0x71: {  	s7 =	sadd.s32 $0x2710, s6;
	[sflag:s0] =	ssyncadd.s32 $0xFFFFEC00  }
0x72: {  	[spmem:s3] =	stream.indirect.scatter.add.f32 [tilespmem:s29], [sflag:$0x3], $0x40, s7, s30, $0xb8;
	[tilespmem:$0x1B620] =	vst v63  }
0x73: {  	_ =	swait.ge [sflag:s26], $0x1400  }
0x74: {  	[sflag:s26] =	ssyncset.done $0x0  }
0x75: {  	s7 =	sadd.s32 $0xA0, s6;
	[sflag:s26] =	ssyncadd.s32 $0xFFFFEC00  }
0x76: {  	[tilespmem:s29], [sflag:$0x1] =	stream.indirect.gather [spmem:s1], $0x40, s7, s30, $0xb8;
	[tilespmem:$0x1B620] =	vst v63  }
0x77: {  	_ =	swait.ge [sflag:s2], $0x1400  }
.Ltmp1:
0x78: {  	[sflag:s2] =	ssyncset.done $0x0;
	(pc) =	sbr.rel @p0 .LBB2_4-.Ltmp1, $4  }
0x79: {  	s6 =	sadd.s32 $0x2760, s6;
	[sflag:s2] =	ssyncadd.s32 $0xFFFFEC00  }
0x7a: {  	[spmem:s3] =	stream.indirect.scatter.add.f32 [tilespmem:s31], [sflag:$0x3], $0x40, s6, s30, $0xb8;
	[tilespmem:$0x1B620] =	vst v63  }
0x7b: {  	_ =	swait.ge [sflag:s26], $0x1400  }
0x7c: {  	s7 =	smov.u32 s10;
	s6 =	sshra.s32 s9, $0x2;
	[sflag:s26] =	ssyncset.done $0x0  }
0x7d: {  	s7 =	sadd.s32 $0x50, s6;
	[sflag:s26] =	ssyncadd.s32 $0xFFFFEC00  }
0x7e: {  	[tilespmem:s31], [sflag:$0x2] =	stream.indirect.gather [spmem:s1], $0x40, s7, s30, $0xb8;
	[tilespmem:$0x1B620] =	vst v63  }
0x7f: {  	_ =	swait.ge [sflag:s0], $0x1400  }
0x80: {  	[sflag:s0] =	ssyncset.done $0x0  }
0x81: {  	s10 =	sadd.s32 $0x2710, s6;
	[sflag:s0] =	ssyncadd.s32 $0xFFFFEC00  }
0x82: {  	[spmem:s3] =	stream.indirect.scatter.add.f32 [tilespmem:s29], [sflag:$0x3], $0x40, s10, s30, $0xb8;
	[tilespmem:$0x1B620] =	vst v63  }
0x83: {  	_ =	swait.ge [sflag:s26], $0x1400  }
0x84: {  	[sflag:s26] =	ssyncset.done $0x0  }
0x85: {  	s8 =	sadd.s32 $0xA0, s6;
	[sflag:s26] =	ssyncadd.s32 $0xFFFFEC00  }
0x86: {  	[tilespmem:s29], [sflag:$0x1] =	stream.indirect.gather [spmem:s1], $0x40, s8, s30, $0xb8;
	[tilespmem:$0x1B620] =	vst v63  }
0x87: {  	_ =	swait.ge [sflag:s2], $0x1400  }
0x88: {  	[sflag:s2] =	ssyncset.done $0x0  }
0x89: {  	s9 =	sadd.s32 $0x2760, s6;
	[sflag:s2] =	ssyncadd.s32 $0xFFFFEC00  }
0x8a: {  	[spmem:s3] =	stream.indirect.scatter.add.f32 [tilespmem:s31], [sflag:$0x3], $0x40, s9, s30, $0xb8;
	[tilespmem:$0x1B620] =	vst v63  }
0x8b: {  	_ =	swait.ge [sflag:s26], $0x1400  }
0x8c: {  	[sflag:s26] =	ssyncset.done $0x0  }
0x8d: {  	[sflag:s26] =	ssyncadd.s32 $0xFFFFEC00  }
0x8e: {  	_ =	swait.ge [sflag:s0], $0x1400  }
0x8f: {  	[sflag:s0] =	ssyncset.done $0x0  }
0x90: {  	s10 =	simm.s32 $0x4DD0;
	[sflag:s0] =	ssyncadd.s32 $0xFFFFEC00  }
0x91: {  	[spmem:s3] =	stream.indirect.scatter.add.f32 [tilespmem:s29], [sflag:$0x3], $0x40, s10, s30, $0xb8;
	[tilespmem:$0x1B620] =	vst v63  }
0x92: {  	_ =	swait.ge [sflag:s26], $0x1400  }
0x93: {  	[sflag:s26] =	ssyncset.done $0x0  }
0x94: {  	[sflag:s26] =	ssyncadd.s32 $0xFFFFEC00  }
0x95: {  	[bflag:$0x0] =	sbarrier.arrive $0xFFFF  }
0x96: {  	[tilespmem:s29], [sflag:$0x3] =	stream.linear.gather [spmem:s16], $0x1400, $0x38;
	[tilespmem:$0x1B620] =	vst v63  }
0x97: {  	_ =	swait.ge [sflag:s26], $0x1400  }
0x98: {  	[sflag:s26] =	ssyncset.done $0x0  }
0x99: {  	s7 =	rddreg [dreg:$0x7];
	[sflag:s26] =	ssyncadd.s32 $0xFFFFEC00  }
0x9a: {  	[hbm4b:s7+s28] =	stream.strided.scatter [tilespmem:s29], [sflag:$0x3], $0x1400, s4, s28, $0x38;
	[tilespmem:$0x1B620] =	vst v63  }
0x9b: {  	_ =	swait.ge [sflag:s26], $0x1400  }
0x9c: {  	[sflag:s26] =	ssyncset.done $0x0  }
0x9d: {  	[sflag:s26] =	ssyncadd.s32 $0xFFFFEC00  }
0x9e: {  	[tilespmem:s29], [sflag:$0x3] =	stream.linear.gather [spmem:s17], $0x1400, $0x38;
	[tilespmem:$0x1B620] =	vst v63  }
0x9f: {  	_ =	swait.ge [sflag:s26], $0x1400  }
0xa0: {  	[sflag:s26] =	ssyncset.done $0x0  }
0xa1: {  	s8 =	rddreg [dreg:$0x8];
	[sflag:s26] =	ssyncadd.s32 $0xFFFFEC00  }
0xa2: {  	[hbm4b:s8+s28] =	stream.strided.scatter [tilespmem:s29], [sflag:$0x3], $0x1400, s4, s28, $0x38;
	[tilespmem:$0x1B620] =	vst v63  }
0xa3: {  	_ =	swait.ge [sflag:s26], $0x1400  }
0xa4: {  	[sflag:s26] =	ssyncset.done $0x0  }
0xa5: {  	[sflag:s26] =	ssyncadd.s32 $0xFFFFEC00  }
0xa6: {  	[tilespmem:s29], [sflag:$0x3] =	stream.linear.gather [spmem:s18], $0x1400, $0x38;
	[tilespmem:$0x1B620] =	vst v63  }
0xa7: {  	_ =	swait.ge [sflag:s26], $0x1400  }
0xa8: {  	[sflag:s26] =	ssyncset.done $0x0  }
0xa9: {  	s9 =	rddreg [dreg:$0x9];
	[sflag:s26] =	ssyncadd.s32 $0xFFFFEC00  }
0xaa: {  	[hbm4b:s9+s28] =	stream.strided.scatter [tilespmem:s29], [sflag:$0x3], $0x1400, s4, s28, $0x38;
	[tilespmem:$0x1B620] =	vst v63  }
0xab: {  	_ =	swait.ge [sflag:s26], $0x1400  }
0xac: {  	[sflag:s26] =	ssyncset.done $0x0  }
0xad: {  	[sflag:s26] =	ssyncadd.s32 $0xFFFFEC00  }
0xae: {  	[tilespmem:s29], [sflag:$0x3] =	stream.linear.gather [spmem:s19], $0x1400, $0x38;
	[tilespmem:$0x1B620] =	vst v63  }
0xaf: {  	_ =	swait.ge [sflag:s26], $0x1400  }
0xb0: {  	[sflag:s26] =	ssyncset.done $0x0  }
0xb1: {  	s10 =	rddreg [dreg:$0xa];
	[sflag:s26] =	ssyncadd.s32 $0xFFFFEC00  }
0xb2: {  	[hbm4b:s10+s28] =	stream.strided.scatter [tilespmem:s29], [sflag:$0x3], $0x1400, s4, s28, $0x38;
	[tilespmem:$0x1B620] =	vst v63  }
0xb3: {  	_ =	swait.ge [sflag:s26], $0x1400  }
0xb4: {  	[sflag:s26] =	ssyncset.done $0x0  }
0xb5: {  	[sflag:s26] =	ssyncadd.s32 $0xFFFFEC00  }
0xb6: {  	[tilespmem:s29], [sflag:$0x3] =	stream.linear.gather [spmem:s20], $0x1400, $0x38;
	[tilespmem:$0x1B620] =	vst v63  }
0xb7: {  	_ =	swait.ge [sflag:s26], $0x1400  }
0xb8: {  	[sflag:s26] =	ssyncset.done $0x0  }
0xb9: {  	[sflag:s26] =	ssyncadd.s32 $0xFFFFEC00  }
0xba: {  	[hbm4b:s11+s28] =	stream.strided.scatter [tilespmem:s29], [sflag:$0x3], $0x1400, s4, s28, $0x38;
	[tilespmem:$0x1B620] =	vst v63  }
0xbb: {  	_ =	swait.ge [sflag:s26], $0x1400  }
0xbc: {  	[sflag:s26] =	ssyncset.done $0x0  }
0xbd: {  	[sflag:s26] =	ssyncadd.s32 $0xFFFFEC00  }
0xbe: {  	[tilespmem:s29], [sflag:$0x3] =	stream.linear.gather [spmem:s21], $0x1400, $0x38;
	[tilespmem:$0x1B620] =	vst v63  }
0xbf: {  	_ =	swait.ge [sflag:s26], $0x1400  }
0xc0: {  	[sflag:s26] =	ssyncset.done $0x0  }
0xc1: {  	[sflag:s26] =	ssyncadd.s32 $0xFFFFEC00  }
0xc2: {  	[hbm4b:s12+s28] =	stream.strided.scatter [tilespmem:s29], [sflag:$0x3], $0x1400, s4, s28, $0x38;
	[tilespmem:$0x1B620] =	vst v63  }
0xc3: {  	_ =	swait.ge [sflag:s26], $0x1400  }
0xc4: {  	[sflag:s26] =	ssyncset.done $0x0  }
0xc5: {  	[sflag:s26] =	ssyncadd.s32 $0xFFFFEC00  }
0xc6: {  	[tilespmem:s29], [sflag:$0x3] =	stream.linear.gather [spmem:s22], $0x1400, $0x38;
	[tilespmem:$0x1B620] =	vst v63  }
0xc7: {  	_ =	swait.ge [sflag:s26], $0x1400  }
0xc8: {  	[sflag:s26] =	ssyncset.done $0x0  }
0xc9: {  	[sflag:s26] =	ssyncadd.s32 $0xFFFFEC00  }
0xca: {  	[hbm4b:s13+s28] =	stream.strided.scatter [tilespmem:s29], [sflag:$0x3], $0x1400, s4, s28, $0x38;
	[tilespmem:$0x1B620] =	vst v63  }
0xcb: {  	_ =	swait.ge [sflag:s26], $0x1400  }
0xcc: {  	[sflag:s26] =	ssyncset.done $0x0  }
0xcd: {  	[sflag:s26] =	ssyncadd.s32 $0xFFFFEC00  }
0xce: {  	[tilespmem:s29], [sflag:$0x3] =	stream.linear.gather [spmem:s23], $0x1400, $0x38;
	[tilespmem:$0x1B620] =	vst v63  }
0xcf: {  	s5 =	sadd.s32 $0x1, s5;
	_ =	swait.ge [sflag:s26], $0x1400  }
0xd0: {  	p0 =	sne.s32 s5, s24;
	[sflag:s26] =	ssyncset.done $0x0  }
.Ltmp2:
0xd1: {  	[sflag:s26] =	ssyncadd.s32 $0xFFFFEC00;
	(pc) =	sbr.rel @p0 .LBB2_1-.Ltmp2, $4  }
0xd2: {  	[hbm4b:s14+s28] =	stream.strided.scatter [tilespmem:s29], [sflag:$0x3], $0x1400, s4, s28, $0x38;
	[tilespmem:$0x1B620] =	vst v63  }
0xd3: {  	_ =	swait.ge [sflag:s26], $0x1400  }
0xd4: {  	[sflag:s26] =	ssyncset.done $0x0  }
0xd5: {  	[sflag:s26] =	ssyncadd.s32 $0xFFFFEC00  }
0xd6: {  	_ =	sfence.sel $0x180000  }
0xd7: {  	[bflag:$0x0] =	sbarrier.arrive $0xFFFF  }
0xd8: {  	_ =	strace $0x9000004A  }
0xd9: {  	s0 =	stileid.u32;
	[bflag:$0x2] =	sbarrier.arrive $0xFFFF  }
0xda: {  	p0 =	sne.s32 s0, $0x0;
	s0 =	rddreg [dreg:$0x4]  }
0xdb: {  	s0 =	sadd.s32 @!p0 $0x100000, s0  }
0xdc: {  	[sflag:s0] =	ssyncadd.tile.s32 @!p0 $0x1;
	_ =	shalt  }
.Lfunc_end2:
_tile_overlayer_lowered:
.L_overlay_start_2:
0xdd: {  	(tag) =	ssettag $0x2  }
0xde: {  	s0 =	rddreg [dreg:$0x0];
	s2 =	stileid.u32  }
0xdf: {  	s1 =	rddreg [dreg:$0x1];
	p0 =	sne.s32 s2, $0x0  }
0xe0: {  	s3 =	rddreg [dreg:$0x2];
	[bflag:$0x3] =	sbarrier.arrive $0xFFFF;
	s2 =	simm.s32 @!p0 $0x1C03  }
0xe1: {  	[timem:s3], [sflag:s2] =	dma.local @!p0 [hbm:s0], s1  }
0xe2: {  	s0 =	simm.s32 @!p0 $0x3  }
0xe3: {  	_ =	swait.ge @!p0 [sflag:s0], s1  }
0xe4: {  	s1 =	ssub.s32 @!p0 $0x0, s1;
	[sflag:s0] =	ssyncset.done @!p0 $0x0  }
0xe5: {  	[sflag:s0] =	ssyncadd.s32 @!p0 s1  }
0xe6: {  	[bflag:$0x3] =	sbarrier.arrive $0xFFFF  }
0xe7: {  	_ =	shalt  }

</sc_bundles>
